<compile_context>
chip_gen: v7x
topology: tpu7x:2x2x1
jax: 0.10.2.dev20260603
libtpu: 0.0.44.dev20260713+nightly
codegen_flags: <defaults>
</compile_context>

<pallas_src>
import functools

import jax
import jax.numpy as jnp
from jax import lax
from jax.experimental import pallas as pl
from jax.experimental.pallas import tpu as pltpu
from jax.experimental.pallas import tpu_sc as plsc

N = 10000
C = 128
K = 27
NC = 2
NS = 16
NW = NC * NS
B = 128


def _matmul_body(feat_ref, w_ref, y_ref):
    y_ref[...] = jnp.dot(feat_ref[...], w_ref[0],
                         preferred_element_type=jnp.float32)


def _compute_y(feat, w):
    return pl.pallas_call(
        _matmul_body,
        grid=(K,),
        in_specs=[
            pl.BlockSpec((N, C), lambda k: (0, 0)),
            pl.BlockSpec((1, C, C), lambda k: (k, 0, 0)),
        ],
        out_specs=pl.BlockSpec((N, C), lambda k: (k, 0)),
        out_shape=jax.ShapeDtypeStruct((K * N, C), jnp.float32),
    )(feat, w)


def _add_body(p_ref, o_ref):
    o_ref[...] = p_ref[0] + p_ref[1]


def _sum_partials(partials):
    return pl.pallas_call(
        _add_body,
        grid=(10,),
        in_specs=[pl.BlockSpec((2, N // 10, C), lambda i: (0, i, 0))],
        out_specs=pl.BlockSpec((N // 10, C), lambda i: (i, 0)),
        out_shape=jax.ShapeDtypeStruct((N, C), jnp.float32),
    )(partials)


CH = 40


def _make_sc_scatter(ncha, n_acc):
    mesh = plsc.VectorSubcoreMesh(core_axis_name="c", subcore_axis_name="s",
                                  num_cores=NC, num_subcores=NS)

    zero_rows = n_acc // NS
    drain_rows = n_acc // NS

    @functools.partial(
        pl.kernel,
        mesh=mesh,
        out_type=jax.ShapeDtypeStruct((NC, n_acc, C), jnp.float32),
        scratch_types=[
            pltpu.VMEM((CH, B), jnp.int32),
            pltpu.VMEM((CH, B), jnp.int32),
            pltpu.VMEM((2, B, C), jnp.float32),
            pltpu.VMEM_SHARED((n_acc, C), jnp.float32),
            pltpu.SemaphoreType.DMA,
            pltpu.SemaphoreType.DMA,
        ],
    )
    def sc_kernel(y_hbm, src_hbm, tgt_hbm, out_hbm,
                  src_v, tgt_v, rows_v, acc_sh, sem0, sem1):
        cid = lax.axis_index("c")
        sid = lax.axis_index("s")
        w = cid * NS + sid

        sems = (sem0, sem1)

        zv = jnp.zeros((16,), jnp.float32)

        def zrow(r, carry):
            for cc in range(C // 16):
                rows_v[1, r, pl.ds(cc * 16, 16)] = zv
            return carry

        lax.fori_loop(0, B, zrow, 0)

        def gather_start(i, slot):
            pltpu.async_copy(y_hbm.at[src_v.at[i]], rows_v.at[slot],
                             sems[slot])

        def gather_wait(i, slot):
            pltpu.make_async_copy(y_hbm.at[src_v.at[i]], rows_v.at[slot],
                                  sems[slot]).wait()

        def scatter(i, slot):
            pltpu.sync_copy(rows_v.at[slot], acc_sh.at[tgt_v.at[i]],
                            add=True)

        pltpu.sync_copy(src_hbm.at[w, 0], src_v)
        pltpu.sync_copy(tgt_hbm.at[w, 0], tgt_v)
        gather_start(0, 0)
        n_full = zero_rows // B
        for j in range(n_full):
            pltpu.sync_copy(
                rows_v.at[1],
                acc_sh.at[pl.ds(sid * zero_rows + j * B, B)])
        rem = zero_rows - n_full * B
        if rem:
            pltpu.sync_copy(
                rows_v.at[1, pl.ds(0, rem)],
                acc_sh.at[pl.ds(sid * zero_rows + n_full * B, rem)])
        plsc.subcore_barrier()

        for ch in range(ncha):
            if ch > 0:
                pltpu.sync_copy(src_hbm.at[w, ch], src_v)
                pltpu.sync_copy(tgt_hbm.at[w, ch], tgt_v)
                gather_start(0, 0)
            gather_start(1, 1)

            def body(g, carry):
                i0 = g * 2
                gather_wait(i0, 0)
                scatter(i0, 0)
                gather_start(i0 + 2, 0)
                gather_wait(i0 + 1, 1)
                scatter(i0 + 1, 1)
                gather_start(i0 + 3, 1)
                return carry

            lax.fori_loop(0, CH // 2 - 1, body, 0)
            gather_wait(CH - 2, 0)
            scatter(CH - 2, 0)
            gather_wait(CH - 1, 1)
            scatter(CH - 1, 1)

        plsc.subcore_barrier()

        pltpu.sync_copy(acc_sh.at[pl.ds(sid * drain_rows, drain_rows)],
                        out_hbm.at[cid, pl.ds(sid * drain_rows, drain_rows)])

    return sc_kernel


def kernel(feat, kernel, src_ids, tgt_ids, feat_depth):
    src = src_ids.astype(jnp.int32)
    tgt = tgt_ids.astype(jnp.int32)

    gsrc = (src + (jnp.arange(K, dtype=jnp.int32) * N)[:, None]).reshape(-1)
    tgt_flat = tgt.reshape(-1)

    te = K * src_ids.shape[1]
    ncha = -(-te // (NW * B * CH))
    bpw = ncha * CH
    te_pad = NW * B * bpw
    n_acc = 10112

    pad = te_pad - te
    pad_src = jnp.arange(pad, dtype=jnp.int32) % (K * N)
    pad_tgt = N + jnp.arange(pad, dtype=jnp.int32) % (n_acc - N)
    gsrc_p = jnp.concatenate([gsrc, pad_src]).reshape(NW, ncha, CH, B)
    tgt_p = jnp.concatenate([tgt_flat, pad_tgt]).reshape(NW, ncha, CH, B)

    y = _compute_y(feat, kernel)
    partials = _make_sc_scatter(ncha, n_acc)(y, gsrc_p, tgt_p)
    out = _sum_partials(partials)
    return (out, feat_depth)

# --- scband reference (transcript-rebuilt; emitter-appended) ---
"""Pipeline reference for scband-conv3d-31739808317553 (READ-ONLY COPY).

The authoritative reference and input builder live on the scoring server;
editing this copy changes nothing except your own understanding.
"""

import jax, jax.numpy as jnp
import numpy as np
import math

IN_CH = 128
OUT_CH = 128
KVOL = 27
N_NODES = 10000
E_PER = 11852

def setup_inputs(seed: int = 0) -> dict:
    key = jax.random.key(seed)
    k1, k2, k3, k4 = jax.random.split(key, 4)
    feat = jax.random.normal(k1, (N_NODES, IN_CH), dtype=jnp.float32)
    src_ids = jax.random.randint(k2, (KVOL, E_PER), 0, N_NODES, dtype=jnp.int64)
    tgt_ids = jax.random.randint(k3, (KVOL, E_PER), 0, N_NODES, dtype=jnp.int64)
    std = 1.0 / math.sqrt(IN_CH * KVOL)
    kernel = jax.random.uniform(k4, (KVOL, IN_CH, OUT_CH), dtype=jnp.float32, minval=-std, maxval=std)
    feat_depth = 4
    return {"feat": feat, "kernel": kernel, "src_ids": src_ids, "tgt_ids": tgt_ids, "feat_depth": feat_depth}

def reference(feat, kernel, src_ids, tgt_ids, feat_depth):
    # Sparse 3D convolution (stride=1, kernel_size=3, kernel_volume=27) as
    # gather -> per-offset GEMM -> scatter-add, faithful to ConvolutionFunction.
    # Neighbor maps (nbmaps) are pre-split per kernel offset (nbsizes all equal).
    n_out = feat.shape[0]  # stride=1: output coords == input coords
    out = jnp.zeros((n_out, kernel.shape[2]), dtype=feat.dtype)
    for k in range(KVOL):
        gathered = jnp.take(feat, src_ids[k], axis=0)          # [E_per, C_in]
        contrib = gathered @ kernel[k]                          # [E_per, C_out]
        out = out.at[tgt_ids[k]].add(contrib)                   # scatter-add
    output_depth = feat_depth  # stride == 1 keeps the same tree depth
    return (out, output_depth)

if __name__ == "__main__":
    import jax
    _d = setup_inputs()
    print(jax.jit(kernel)(*tuple(_d.values())))

</pallas_src>

<mosaic_0001>
#map = affine_map<(d0, d1) -> (0, 0)>
#map1 = affine_map<(d0, d1) -> (0, 0, 0, 0)>
#map2 = affine_map<(d0, d1) -> (0, 0, 0)>
module attributes {stable_mosaic.version = 14 : i64} {
  func.func @sc_kernel(%arg0: i32, %arg1: i32, %arg2: memref<270000x128xf32, #tpu.memory_space<hbm>>, %arg3: memref<32x2x40x128xi32, #tpu.memory_space<hbm>>, %arg4: memref<32x2x40x128xi32, #tpu.memory_space<hbm>>, %arg5: memref<2x10112x128xf32, #tpu.memory_space<hbm>>, %arg6: memref<40x128xi32, #tpu.memory_space<vmem>>, %arg7: memref<40x128xi32, #tpu.memory_space<vmem>>, %arg8: memref<2x128x128xf32, #tpu.memory_space<vmem>>, %arg9: memref<10112x128xf32, #tpu.memory_space<vmem_shared>>, %arg10: memref<!tpu.dma_semaphore, #tpu.memory_space<semaphore_mem>>, %arg11: memref<!tpu.dma_semaphore, #tpu.memory_space<semaphore_mem>>) attributes {dimension_semantics = [#tpu.dimension_semantics<core_parallel>, #tpu.dimension_semantics<subcore_parallel>], iteration_bounds = array<i64: 2, 16>, scalar_prefetch = 0 : i64, scratch_operands = 6 : i64, tpu.core_type = #tpu.core_type<sc_vector_subcore>, window_params = [{transform_indices = #map}, {transform_indices = #map1}, {transform_indices = #map1}, {transform_indices = #map2}]} {
    %mul3A = arith.constant 16 : i32
    %mul3A_0 = arith.muli %arg0, %mul3A : i32
    %add3A = arith.addi %mul3A_0, %arg1 : i32
    %broadcast_in_dim3A = arith.constant 0.000000e+00 : f32
    %broadcast_in_dim3A_1 = vector.broadcast %broadcast_in_dim3A : f32 to vector<16xf32>
    %scan3A = arith.constant 0 : i32
    %scan3A_2 = arith.constant 0 : i32
    %scan3A_3 = arith.constant 128 : i32
    %scan3A_4 = arith.addi %scan3A_2, %scan3A_3 : i32
    %scan3A_5 = arith.constant 1 : i32
    scf.for %scan3A_154 = %scan3A_2 to %scan3A_4 step %scan3A_5  : i32 {
      %swap3A = arith.constant 1 : i32
      %swap3A_155 = arith.index_cast %swap3A : i32 to index
      %swap3A_156 = arith.index_cast %scan3A_154 : i32 to index
      %swap3A_157 = arith.constant 0 : index
      %swap3A_158 = tpu.vector_load %arg8[%swap3A_155, %swap3A_156, %swap3A_157] {strides = array<i32>} : memref<2x128x128xf32, #tpu.memory_space<vmem>>, vector<1x1x16xf32>,
      %swap3A_159 = vector.shape_cast %swap3A_158 : vector<1x1x16xf32> to vector<16xf32>
      %swap3A_160 = vector.shape_cast %broadcast_in_dim3A_1 : vector<16xf32> to vector<1x1x16xf32>
      tpu.vector_store %arg8[%swap3A_155, %swap3A_156, %swap3A_157], %swap3A_160 {strides = array<i32>} : memref<2x128x128xf32, #tpu.memory_space<vmem>>, vector<1x1x16xf32>,
      %swap3A_161 = arith.constant 1 : i32
      %swap3A_162 = arith.index_cast %swap3A_161 : i32 to index
      %swap3A_163 = arith.index_cast %scan3A_154 : i32 to index
      %swap3A_164 = arith.constant 16 : index
      %swap3A_165 = tpu.vector_load %arg8[%swap3A_162, %swap3A_163, %swap3A_164] {strides = array<i32>} : memref<2x128x128xf32, #tpu.memory_space<vmem>>, vector<1x1x16xf32>,
      %swap3A_166 = vector.shape_cast %swap3A_165 : vector<1x1x16xf32> to vector<16xf32>
      %swap3A_167 = vector.shape_cast %broadcast_in_dim3A_1 : vector<16xf32> to vector<1x1x16xf32>
      tpu.vector_store %arg8[%swap3A_162, %swap3A_163, %swap3A_164], %swap3A_167 {strides = array<i32>} : memref<2x128x128xf32, #tpu.memory_space<vmem>>, vector<1x1x16xf32>,
      %swap3A_168 = arith.constant 1 : i32
      %swap3A_169 = arith.index_cast %swap3A_168 : i32 to index
      %swap3A_170 = arith.index_cast %scan3A_154 : i32 to index
      %swap3A_171 = arith.constant 32 : index
      %swap3A_172 = tpu.vector_load %arg8[%swap3A_169, %swap3A_170, %swap3A_171] {strides = array<i32>} : memref<2x128x128xf32, #tpu.memory_space<vmem>>, vector<1x1x16xf32>,
      %swap3A_173 = vector.shape_cast %swap3A_172 : vector<1x1x16xf32> to vector<16xf32>
      %swap3A_174 = vector.shape_cast %broadcast_in_dim3A_1 : vector<16xf32> to vector<1x1x16xf32>
      tpu.vector_store %arg8[%swap3A_169, %swap3A_170, %swap3A_171], %swap3A_174 {strides = array<i32>} : memref<2x128x128xf32, #tpu.memory_space<vmem>>, vector<1x1x16xf32>,
      %swap3A_175 = arith.constant 1 : i32
      %swap3A_176 = arith.index_cast %swap3A_175 : i32 to index
      %swap3A_177 = arith.index_cast %scan3A_154 : i32 to index
      %swap3A_178 = arith.constant 48 : index
      %swap3A_179 = tpu.vector_load %arg8[%swap3A_176, %swap3A_177, %swap3A_178] {strides = array<i32>} : memref<2x128x128xf32, #tpu.memory_space<vmem>>, vector<1x1x16xf32>,
      %swap3A_180 = vector.shape_cast %swap3A_179 : vector<1x1x16xf32> to vector<16xf32>
      %swap3A_181 = vector.shape_cast %broadcast_in_dim3A_1 : vector<16xf32> to vector<1x1x16xf32>
      tpu.vector_store %arg8[%swap3A_176, %swap3A_177, %swap3A_178], %swap3A_181 {strides = array<i32>} : memref<2x128x128xf32, #tpu.memory_space<vmem>>, vector<1x1x16xf32>,
      %swap3A_182 = arith.constant 1 : i32
      %swap3A_183 = arith.index_cast %swap3A_182 : i32 to index
      %swap3A_184 = arith.index_cast %scan3A_154 : i32 to index
      %swap3A_185 = arith.constant 64 : index
      %swap3A_186 = tpu.vector_load %arg8[%swap3A_183, %swap3A_184, %swap3A_185] {strides = array<i32>} : memref<2x128x128xf32, #tpu.memory_space<vmem>>, vector<1x1x16xf32>,
      %swap3A_187 = vector.shape_cast %swap3A_186 : vector<1x1x16xf32> to vector<16xf32>
      %swap3A_188 = vector.shape_cast %broadcast_in_dim3A_1 : vector<16xf32> to vector<1x1x16xf32>
      tpu.vector_store %arg8[%swap3A_183, %swap3A_184, %swap3A_185], %swap3A_188 {strides = array<i32>} : memref<2x128x128xf32, #tpu.memory_space<vmem>>, vector<1x1x16xf32>,
      %swap3A_189 = arith.constant 1 : i32
      %swap3A_190 = arith.index_cast %swap3A_189 : i32 to index
      %swap3A_191 = arith.index_cast %scan3A_154 : i32 to index
      %swap3A_192 = arith.constant 80 : index
      %swap3A_193 = tpu.vector_load %arg8[%swap3A_190, %swap3A_191, %swap3A_192] {strides = array<i32>} : memref<2x128x128xf32, #tpu.memory_space<vmem>>, vector<1x1x16xf32>,
      %swap3A_194 = vector.shape_cast %swap3A_193 : vector<1x1x16xf32> to vector<16xf32>
      %swap3A_195 = vector.shape_cast %broadcast_in_dim3A_1 : vector<16xf32> to vector<1x1x16xf32>
      tpu.vector_store %arg8[%swap3A_190, %swap3A_191, %swap3A_192], %swap3A_195 {strides = array<i32>} : memref<2x128x128xf32, #tpu.memory_space<vmem>>, vector<1x1x16xf32>,
      %swap3A_196 = arith.constant 1 : i32
      %swap3A_197 = arith.index_cast %swap3A_196 : i32 to index
      %swap3A_198 = arith.index_cast %scan3A_154 : i32 to index
      %swap3A_199 = arith.constant 96 : index
      %swap3A_200 = tpu.vector_load %arg8[%swap3A_197, %swap3A_198, %swap3A_199] {strides = array<i32>} : memref<2x128x128xf32, #tpu.memory_space<vmem>>, vector<1x1x16xf32>,
      %swap3A_201 = vector.shape_cast %swap3A_200 : vector<1x1x16xf32> to vector<16xf32>
      %swap3A_202 = vector.shape_cast %broadcast_in_dim3A_1 : vector<16xf32> to vector<1x1x16xf32>
      tpu.vector_store %arg8[%swap3A_197, %swap3A_198, %swap3A_199], %swap3A_202 {strides = array<i32>} : memref<2x128x128xf32, #tpu.memory_space<vmem>>, vector<1x1x16xf32>,
      %swap3A_203 = arith.constant 1 : i32
      %swap3A_204 = arith.index_cast %swap3A_203 : i32 to index
      %swap3A_205 = arith.index_cast %scan3A_154 : i32 to index
      %swap3A_206 = arith.constant 112 : index
      %swap3A_207 = tpu.vector_load %arg8[%swap3A_204, %swap3A_205, %swap3A_206] {strides = array<i32>} : memref<2x128x128xf32, #tpu.memory_space<vmem>>, vector<1x1x16xf32>,
      %swap3A_208 = vector.shape_cast %swap3A_207 : vector<1x1x16xf32> to vector<16xf32>
      %swap3A_209 = vector.shape_cast %broadcast_in_dim3A_1 : vector<16xf32> to vector<1x1x16xf32>
      tpu.vector_store %arg8[%swap3A_204, %swap3A_205, %swap3A_206], %swap3A_209 {strides = array<i32>} : memref<2x128x128xf32, #tpu.memory_space<vmem>>, vector<1x1x16xf32>,
    }
    %scan3A_6 = arith.constant 128 : i32
    %run_scoped3A = arith.constant 0 : i32
    "tpu.region"() ({
      %run_scoped3A_154 = tpu.sem_alloc : memref<!tpu.dma_semaphore, #tpu.memory_space<semaphore_mem>>
      %dma_start3A_155 = arith.constant 0 : i32
      %dma_start3A_156 = arith.constant 0 : i32
      %dma_start3A_157 = tpu.memref_slice %arg3[%add3A, %run_scoped3A, %dma_start3A_155, %dma_start3A_156] : memref<32x2x40x128xi32, #tpu.memory_space<hbm>> -> memref<1x1x40x128xi32, #tpu.memory_space<hbm>>
      %dma_start3A_158 = tpu.memref_squeeze %dma_start3A_157 : memref<1x1x40x128xi32, #tpu.memory_space<hbm>> -> memref<40x128xi32, #tpu.memory_space<hbm>>
      %dma_start3A_159 = arith.constant 0 : i32
      %dma_start3A_160 = arith.constant 0 : i32
      %dma_start3A_161 = tpu.memref_slice %arg3[%add3A, %run_scoped3A, %dma_start3A_159, %dma_start3A_160] : memref<32x2x40x128xi32, #tpu.memory_space<hbm>> -> memref<1x1x40x128xi32, #tpu.memory_space<hbm>>
      %dma_start3A_162 = tpu.memref_squeeze %dma_start3A_161 : memref<1x1x40x128xi32, #tpu.memory_space<hbm>> -> memref<40x128xi32, #tpu.memory_space<hbm>>
      tpu.enqueue_dma source(%dma_start3A_162 : memref<40x128xi32, #tpu.memory_space<hbm>>) target(%arg6 : memref<40x128xi32, #tpu.memory_space<vmem>>) target_semaphore(%run_scoped3A_154 : memref<!tpu.dma_semaphore, #tpu.memory_space<semaphore_mem>>)
      %dma_wait3A_163 = arith.constant 0 : i32
      %dma_wait3A_164 = arith.constant 0 : i32
      %dma_wait3A_165 = tpu.memref_slice %arg3[%add3A, %run_scoped3A, %dma_wait3A_163, %dma_wait3A_164] : memref<32x2x40x128xi32, #tpu.memory_space<hbm>> -> memref<1x1x40x128xi32, #tpu.memory_space<hbm>>
      %dma_wait3A_166 = tpu.memref_squeeze %dma_wait3A_165 : memref<1x1x40x128xi32, #tpu.memory_space<hbm>> -> memref<40x128xi32, #tpu.memory_space<hbm>>
      %dma_wait3A_167 = arith.constant 0 : i32
      %dma_wait3A_168 = arith.constant 0 : i32
      %dma_wait3A_169 = tpu.memref_slice %arg3[%add3A, %run_scoped3A, %dma_wait3A_167, %dma_wait3A_168] : memref<32x2x40x128xi32, #tpu.memory_space<hbm>> -> memref<1x1x40x128xi32, #tpu.memory_space<hbm>>
      %dma_wait3A_170 = tpu.memref_squeeze %dma_wait3A_169 : memref<1x1x40x128xi32, #tpu.memory_space<hbm>> -> memref<40x128xi32, #tpu.memory_space<hbm>>
      tpu.wait_dma2 semaphore(%run_scoped3A_154 : memref<!tpu.dma_semaphore, #tpu.memory_space<semaphore_mem>>) src(%dma_wait3A_170 : memref<40x128xi32, #tpu.memory_space<hbm>>) dst(%arg6 : memref<40x128xi32, #tpu.memory_space<vmem>>)
      tpu.yield
    }) : () -> ()
    %run_scoped3A_7 = arith.constant 0 : i32
    "tpu.region"() ({
      %run_scoped3A_154 = tpu.sem_alloc : memref<!tpu.dma_semaphore, #tpu.memory_space<semaphore_mem>>
      %dma_start3A_155 = arith.constant 0 : i32
      %dma_start3A_156 = arith.constant 0 : i32
      %dma_start3A_157 = tpu.memref_slice %arg4[%add3A, %run_scoped3A_7, %dma_start3A_155, %dma_start3A_156] : memref<32x2x40x128xi32, #tpu.memory_space<hbm>> -> memref<1x1x40x128xi32, #tpu.memory_space<hbm>>
      %dma_start3A_158 = tpu.memref_squeeze %dma_start3A_157 : memref<1x1x40x128xi32, #tpu.memory_space<hbm>> -> memref<40x128xi32, #tpu.memory_space<hbm>>
      %dma_start3A_159 = arith.constant 0 : i32
      %dma_start3A_160 = arith.constant 0 : i32
      %dma_start3A_161 = tpu.memref_slice %arg4[%add3A, %run_scoped3A_7, %dma_start3A_159, %dma_start3A_160] : memref<32x2x40x128xi32, #tpu.memory_space<hbm>> -> memref<1x1x40x128xi32, #tpu.memory_space<hbm>>
      %dma_start3A_162 = tpu.memref_squeeze %dma_start3A_161 : memref<1x1x40x128xi32, #tpu.memory_space<hbm>> -> memref<40x128xi32, #tpu.memory_space<hbm>>
      tpu.enqueue_dma source(%dma_start3A_162 : memref<40x128xi32, #tpu.memory_space<hbm>>) target(%arg7 : memref<40x128xi32, #tpu.memory_space<vmem>>) target_semaphore(%run_scoped3A_154 : memref<!tpu.dma_semaphore, #tpu.memory_space<semaphore_mem>>)
      %dma_wait3A_163 = arith.constant 0 : i32
      %dma_wait3A_164 = arith.constant 0 : i32
      %dma_wait3A_165 = tpu.memref_slice %arg4[%add3A, %run_scoped3A_7, %dma_wait3A_163, %dma_wait3A_164] : memref<32x2x40x128xi32, #tpu.memory_space<hbm>> -> memref<1x1x40x128xi32, #tpu.memory_space<hbm>>
      %dma_wait3A_166 = tpu.memref_squeeze %dma_wait3A_165 : memref<1x1x40x128xi32, #tpu.memory_space<hbm>> -> memref<40x128xi32, #tpu.memory_space<hbm>>
      %dma_wait3A_167 = arith.constant 0 : i32
      %dma_wait3A_168 = arith.constant 0 : i32
      %dma_wait3A_169 = tpu.memref_slice %arg4[%add3A, %run_scoped3A_7, %dma_wait3A_167, %dma_wait3A_168] : memref<32x2x40x128xi32, #tpu.memory_space<hbm>> -> memref<1x1x40x128xi32, #tpu.memory_space<hbm>>
      %dma_wait3A_170 = tpu.memref_squeeze %dma_wait3A_169 : memref<1x1x40x128xi32, #tpu.memory_space<hbm>> -> memref<40x128xi32, #tpu.memory_space<hbm>>
      tpu.wait_dma2 semaphore(%run_scoped3A_154 : memref<!tpu.dma_semaphore, #tpu.memory_space<semaphore_mem>>) src(%dma_wait3A_170 : memref<40x128xi32, #tpu.memory_space<hbm>>) dst(%arg7 : memref<40x128xi32, #tpu.memory_space<vmem>>)
      tpu.yield
    }) : () -> ()
    %dma_start3A = arith.constant 0 : i32
    %dma_start3A_8 = arith.constant 0 : i32
    %dma_start3A_9 = arith.constant 0 : i32
    %dma_start3A_10 = arith.constant 0 : i32
    %dma_start3A_11 = tpu.memref_slice %arg8[%dma_start3A_8, %dma_start3A_9, %dma_start3A_10] : memref<2x128x128xf32, #tpu.memory_space<vmem>> -> memref<1x128x128xf32, #tpu.memory_space<vmem>>
    %dma_start3A_12 = tpu.memref_squeeze %dma_start3A_11 : memref<1x128x128xf32, #tpu.memory_space<vmem>> -> memref<128x128xf32, #tpu.memory_space<vmem>>
    %dma_start3A_13 = arith.constant 0 : i32
    %dma_start3A_14 = tpu.memref_slice %arg6[%dma_start3A, %dma_start3A_13] : memref<40x128xi32, #tpu.memory_space<vmem>> -> memref<1x128xi32, #tpu.memory_space<vmem>>
    %dma_start3A_15 = tpu.memref_squeeze %dma_start3A_14 : memref<1x128xi32, #tpu.memory_space<vmem>> -> memref<128xi32, #tpu.memory_space<vmem>>
    %dma_start3A_16 = arith.constant 0 : i32
    %dma_start3A_17 = arith.constant 0 : i32
    %dma_start3A_18 = tpu.memref_slice %arg2[%dma_start3A_16, %dma_start3A_17] : memref<270000x128xf32, #tpu.memory_space<hbm>> -> memref<270000x128xf32, #tpu.memory_space<hbm>>
    tpu.enqueue_indirect_dma source(%dma_start3A_18 : memref<270000x128xf32, #tpu.memory_space<hbm>>) target(%dma_start3A_12 : memref<128x128xf32, #tpu.memory_space<vmem>>) offsets(%dma_start3A_15 : memref<128xi32, #tpu.memory_space<vmem>>) semaphore(%arg10 : memref<!tpu.dma_semaphore, #tpu.memory_space<semaphore_mem>>)
    %mul3A_19 = arith.constant 632 : i32
    %mul3A_20 = arith.muli %arg1, %mul3A_19 : i32
    %add3A_21 = arith.constant 0 : i32
    %add3A_22 = arith.addi %mul3A_20, %add3A_21 : i32
    %run_scoped3A_23 = arith.constant 1 : i32
    "tpu.region"() ({
      %run_scoped3A_154 = tpu.sem_alloc : memref<!tpu.dma_semaphore, #tpu.memory_space<semaphore_mem>>
      %dma_start3A_155 = arith.constant 0 : i32
      %dma_start3A_156 = arith.constant 0 : i32
      %dma_start3A_157 = tpu.memref_slice %arg8[%run_scoped3A_23, %dma_start3A_155, %dma_start3A_156] : memref<2x128x128xf32, #tpu.memory_space<vmem>> -> memref<1x128x128xf32, #tpu.memory_space<vmem>>
      %dma_start3A_158 = tpu.memref_squeeze %dma_start3A_157 : memref<1x128x128xf32, #tpu.memory_space<vmem>> -> memref<128x128xf32, #tpu.memory_space<vmem>>
      %dma_start3A_159 = arith.constant 0 : i32
      %dma_start3A_160 = tpu.memref_slice %arg9[%add3A_22, %dma_start3A_159] : memref<10112x128xf32, #tpu.memory_space<vmem_shared>> -> memref<128x128xf32, #tpu.memory_space<vmem_shared>>
      %dma_start3A_161 = arith.constant 0 : i32
      %dma_start3A_162 = tpu.memref_slice %arg9[%add3A_22, %dma_start3A_161] : memref<10112x128xf32, #tpu.memory_space<vmem_shared>> -> memref<128x128xf32, #tpu.memory_space<vmem_shared>>
      %dma_start3A_163 = arith.constant 0 : i32
      %dma_start3A_164 = arith.constant 0 : i32
      %dma_start3A_165 = tpu.memref_slice %arg8[%run_scoped3A_23, %dma_start3A_163, %dma_start3A_164] : memref<2x128x128xf32, #tpu.memory_space<vmem>> -> memref<1x128x128xf32, #tpu.memory_space<vmem>>
      %dma_start3A_166 = tpu.memref_squeeze %dma_start3A_165 : memref<1x128x128xf32, #tpu.memory_space<vmem>> -> memref<128x128xf32, #tpu.memory_space<vmem>>
      tpu.enqueue_dma source(%dma_start3A_166 : memref<128x128xf32, #tpu.memory_space<vmem>>) target(%dma_start3A_162 : memref<128x128xf32, #tpu.memory_space<vmem_shared>>) target_semaphore(%run_scoped3A_154 : memref<!tpu.dma_semaphore, #tpu.memory_space<semaphore_mem>>)
      %dma_wait3A_167 = arith.constant 0 : i32
      %dma_wait3A_168 = arith.constant 0 : i32
      %dma_wait3A_169 = tpu.memref_slice %arg8[%run_scoped3A_23, %dma_wait3A_167, %dma_wait3A_168] : memref<2x128x128xf32, #tpu.memory_space<vmem>> -> memref<1x128x128xf32, #tpu.memory_space<vmem>>
      %dma_wait3A_170 = tpu.memref_squeeze %dma_wait3A_169 : memref<1x128x128xf32, #tpu.memory_space<vmem>> -> memref<128x128xf32, #tpu.memory_space<vmem>>
      %dma_wait3A_171 = arith.constant 0 : i32
      %dma_wait3A_172 = tpu.memref_slice %arg9[%add3A_22, %dma_wait3A_171] : memref<10112x128xf32, #tpu.memory_space<vmem_shared>> -> memref<128x128xf32, #tpu.memory_space<vmem_shared>>
      %dma_wait3A_173 = arith.constant 0 : i32
      %dma_wait3A_174 = tpu.memref_slice %arg9[%add3A_22, %dma_wait3A_173] : memref<10112x128xf32, #tpu.memory_space<vmem_shared>> -> memref<128x128xf32, #tpu.memory_space<vmem_shared>>
      %dma_wait3A_175 = arith.constant 0 : i32
      %dma_wait3A_176 = arith.constant 0 : i32
      %dma_wait3A_177 = tpu.memref_slice %arg8[%run_scoped3A_23, %dma_wait3A_175, %dma_wait3A_176] : memref<2x128x128xf32, #tpu.memory_space<vmem>> -> memref<1x128x128xf32, #tpu.memory_space<vmem>>
      %dma_wait3A_178 = tpu.memref_squeeze %dma_wait3A_177 : memref<1x128x128xf32, #tpu.memory_space<vmem>> -> memref<128x128xf32, #tpu.memory_space<vmem>>
      tpu.wait_dma2 semaphore(%run_scoped3A_154 : memref<!tpu.dma_semaphore, #tpu.memory_space<semaphore_mem>>) src(%dma_wait3A_178 : memref<128x128xf32, #tpu.memory_space<vmem>>) dst(%dma_wait3A_174 : memref<128x128xf32, #tpu.memory_space<vmem_shared>>)
      tpu.yield
    }) : () -> ()
    %mul3A_24 = arith.constant 632 : i32
    %mul3A_25 = arith.muli %arg1, %mul3A_24 : i32
    %add3A_26 = arith.constant 128 : i32
    %add3A_27 = arith.addi %mul3A_25, %add3A_26 : i32
    %run_scoped3A_28 = arith.constant 1 : i32
    "tpu.region"() ({
      %run_scoped3A_154 = tpu.sem_alloc : memref<!tpu.dma_semaphore, #tpu.memory_space<semaphore_mem>>
      %dma_start3A_155 = arith.constant 0 : i32
      %dma_start3A_156 = arith.constant 0 : i32
      %dma_start3A_157 = tpu.memref_slice %arg8[%run_scoped3A_28, %dma_start3A_155, %dma_start3A_156] : memref<2x128x128xf32, #tpu.memory_space<vmem>> -> memref<1x128x128xf32, #tpu.memory_space<vmem>>
      %dma_start3A_158 = tpu.memref_squeeze %dma_start3A_157 : memref<1x128x128xf32, #tpu.memory_space<vmem>> -> memref<128x128xf32, #tpu.memory_space<vmem>>
      %dma_start3A_159 = arith.constant 0 : i32
      %dma_start3A_160 = tpu.memref_slice %arg9[%add3A_27, %dma_start3A_159] : memref<10112x128xf32, #tpu.memory_space<vmem_shared>> -> memref<128x128xf32, #tpu.memory_space<vmem_shared>>
      %dma_start3A_161 = arith.constant 0 : i32
      %dma_start3A_162 = tpu.memref_slice %arg9[%add3A_27, %dma_start3A_161] : memref<10112x128xf32, #tpu.memory_space<vmem_shared>> -> memref<128x128xf32, #tpu.memory_space<vmem_shared>>
      %dma_start3A_163 = arith.constant 0 : i32
      %dma_start3A_164 = arith.constant 0 : i32
      %dma_start3A_165 = tpu.memref_slice %arg8[%run_scoped3A_28, %dma_start3A_163, %dma_start3A_164] : memref<2x128x128xf32, #tpu.memory_space<vmem>> -> memref<1x128x128xf32, #tpu.memory_space<vmem>>
      %dma_start3A_166 = tpu.memref_squeeze %dma_start3A_165 : memref<1x128x128xf32, #tpu.memory_space<vmem>> -> memref<128x128xf32, #tpu.memory_space<vmem>>
      tpu.enqueue_dma source(%dma_start3A_166 : memref<128x128xf32, #tpu.memory_space<vmem>>) target(%dma_start3A_162 : memref<128x128xf32, #tpu.memory_space<vmem_shared>>) target_semaphore(%run_scoped3A_154 : memref<!tpu.dma_semaphore, #tpu.memory_space<semaphore_mem>>)
      %dma_wait3A_167 = arith.constant 0 : i32
      %dma_wait3A_168 = arith.constant 0 : i32
      %dma_wait3A_169 = tpu.memref_slice %arg8[%run_scoped3A_28, %dma_wait3A_167, %dma_wait3A_168] : memref<2x128x128xf32, #tpu.memory_space<vmem>> -> memref<1x128x128xf32, #tpu.memory_space<vmem>>
      %dma_wait3A_170 = tpu.memref_squeeze %dma_wait3A_169 : memref<1x128x128xf32, #tpu.memory_space<vmem>> -> memref<128x128xf32, #tpu.memory_space<vmem>>
      %dma_wait3A_171 = arith.constant 0 : i32
      %dma_wait3A_172 = tpu.memref_slice %arg9[%add3A_27, %dma_wait3A_171] : memref<10112x128xf32, #tpu.memory_space<vmem_shared>> -> memref<128x128xf32, #tpu.memory_space<vmem_shared>>
      %dma_wait3A_173 = arith.constant 0 : i32
      %dma_wait3A_174 = tpu.memref_slice %arg9[%add3A_27, %dma_wait3A_173] : memref<10112x128xf32, #tpu.memory_space<vmem_shared>> -> memref<128x128xf32, #tpu.memory_space<vmem_shared>>
      %dma_wait3A_175 = arith.constant 0 : i32
      %dma_wait3A_176 = arith.constant 0 : i32
      %dma_wait3A_177 = tpu.memref_slice %arg8[%run_scoped3A_28, %dma_wait3A_175, %dma_wait3A_176] : memref<2x128x128xf32, #tpu.memory_space<vmem>> -> memref<1x128x128xf32, #tpu.memory_space<vmem>>
      %dma_wait3A_178 = tpu.memref_squeeze %dma_wait3A_177 : memref<1x128x128xf32, #tpu.memory_space<vmem>> -> memref<128x128xf32, #tpu.memory_space<vmem>>
      tpu.wait_dma2 semaphore(%run_scoped3A_154 : memref<!tpu.dma_semaphore, #tpu.memory_space<semaphore_mem>>) src(%dma_wait3A_178 : memref<128x128xf32, #tpu.memory_space<vmem>>) dst(%dma_wait3A_174 : memref<128x128xf32, #tpu.memory_space<vmem_shared>>)
      tpu.yield
    }) : () -> ()
    %mul3A_29 = arith.constant 632 : i32
    %mul3A_30 = arith.muli %arg1, %mul3A_29 : i32
    %add3A_31 = arith.constant 256 : i32
    %add3A_32 = arith.addi %mul3A_30, %add3A_31 : i32
    %run_scoped3A_33 = arith.constant 1 : i32
    "tpu.region"() ({
      %run_scoped3A_154 = tpu.sem_alloc : memref<!tpu.dma_semaphore, #tpu.memory_space<semaphore_mem>>
      %dma_start3A_155 = arith.constant 0 : i32
      %dma_start3A_156 = arith.constant 0 : i32
      %dma_start3A_157 = tpu.memref_slice %arg8[%run_scoped3A_33, %dma_start3A_155, %dma_start3A_156] : memref<2x128x128xf32, #tpu.memory_space<vmem>> -> memref<1x128x128xf32, #tpu.memory_space<vmem>>
      %dma_start3A_158 = tpu.memref_squeeze %dma_start3A_157 : memref<1x128x128xf32, #tpu.memory_space<vmem>> -> memref<128x128xf32, #tpu.memory_space<vmem>>
      %dma_start3A_159 = arith.constant 0 : i32
      %dma_start3A_160 = tpu.memref_slice %arg9[%add3A_32, %dma_start3A_159] : memref<10112x128xf32, #tpu.memory_space<vmem_shared>> -> memref<128x128xf32, #tpu.memory_space<vmem_shared>>
      %dma_start3A_161 = arith.constant 0 : i32
      %dma_start3A_162 = tpu.memref_slice %arg9[%add3A_32, %dma_start3A_161] : memref<10112x128xf32, #tpu.memory_space<vmem_shared>> -> memref<128x128xf32, #tpu.memory_space<vmem_shared>>
      %dma_start3A_163 = arith.constant 0 : i32
      %dma_start3A_164 = arith.constant 0 : i32
      %dma_start3A_165 = tpu.memref_slice %arg8[%run_scoped3A_33, %dma_start3A_163, %dma_start3A_164] : memref<2x128x128xf32, #tpu.memory_space<vmem>> -> memref<1x128x128xf32, #tpu.memory_space<vmem>>
      %dma_start3A_166 = tpu.memref_squeeze %dma_start3A_165 : memref<1x128x128xf32, #tpu.memory_space<vmem>> -> memref<128x128xf32, #tpu.memory_space<vmem>>
      tpu.enqueue_dma source(%dma_start3A_166 : memref<128x128xf32, #tpu.memory_space<vmem>>) target(%dma_start3A_162 : memref<128x128xf32, #tpu.memory_space<vmem_shared>>) target_semaphore(%run_scoped3A_154 : memref<!tpu.dma_semaphore, #tpu.memory_space<semaphore_mem>>)
      %dma_wait3A_167 = arith.constant 0 : i32
      %dma_wait3A_168 = arith.constant 0 : i32
      %dma_wait3A_169 = tpu.memref_slice %arg8[%run_scoped3A_33, %dma_wait3A_167, %dma_wait3A_168] : memref<2x128x128xf32, #tpu.memory_space<vmem>> -> memref<1x128x128xf32, #tpu.memory_space<vmem>>
      %dma_wait3A_170 = tpu.memref_squeeze %dma_wait3A_169 : memref<1x128x128xf32, #tpu.memory_space<vmem>> -> memref<128x128xf32, #tpu.memory_space<vmem>>
      %dma_wait3A_171 = arith.constant 0 : i32
      %dma_wait3A_172 = tpu.memref_slice %arg9[%add3A_32, %dma_wait3A_171] : memref<10112x128xf32, #tpu.memory_space<vmem_shared>> -> memref<128x128xf32, #tpu.memory_space<vmem_shared>>
      %dma_wait3A_173 = arith.constant 0 : i32
      %dma_wait3A_174 = tpu.memref_slice %arg9[%add3A_32, %dma_wait3A_173] : memref<10112x128xf32, #tpu.memory_space<vmem_shared>> -> memref<128x128xf32, #tpu.memory_space<vmem_shared>>
      %dma_wait3A_175 = arith.constant 0 : i32
      %dma_wait3A_176 = arith.constant 0 : i32
      %dma_wait3A_177 = tpu.memref_slice %arg8[%run_scoped3A_33, %dma_wait3A_175, %dma_wait3A_176] : memref<2x128x128xf32, #tpu.memory_space<vmem>> -> memref<1x128x128xf32, #tpu.memory_space<vmem>>
      %dma_wait3A_178 = tpu.memref_squeeze %dma_wait3A_177 : memref<1x128x128xf32, #tpu.memory_space<vmem>> -> memref<128x128xf32, #tpu.memory_space<vmem>>
      tpu.wait_dma2 semaphore(%run_scoped3A_154 : memref<!tpu.dma_semaphore, #tpu.memory_space<semaphore_mem>>) src(%dma_wait3A_178 : memref<128x128xf32, #tpu.memory_space<vmem>>) dst(%dma_wait3A_174 : memref<128x128xf32, #tpu.memory_space<vmem_shared>>)
      tpu.yield
    }) : () -> ()
    %mul3A_34 = arith.constant 632 : i32
    %mul3A_35 = arith.muli %arg1, %mul3A_34 : i32
    %add3A_36 = arith.constant 384 : i32
    %add3A_37 = arith.addi %mul3A_35, %add3A_36 : i32
    %run_scoped3A_38 = arith.constant 1 : i32
    "tpu.region"() ({
      %run_scoped3A_154 = tpu.sem_alloc : memref<!tpu.dma_semaphore, #tpu.memory_space<semaphore_mem>>
      %dma_start3A_155 = arith.constant 0 : i32
      %dma_start3A_156 = arith.constant 0 : i32
      %dma_start3A_157 = tpu.memref_slice %arg8[%run_scoped3A_38, %dma_start3A_155, %dma_start3A_156] : memref<2x128x128xf32, #tpu.memory_space<vmem>> -> memref<1x128x128xf32, #tpu.memory_space<vmem>>
      %dma_start3A_158 = tpu.memref_squeeze %dma_start3A_157 : memref<1x128x128xf32, #tpu.memory_space<vmem>> -> memref<128x128xf32, #tpu.memory_space<vmem>>
      %dma_start3A_159 = arith.constant 0 : i32
      %dma_start3A_160 = tpu.memref_slice %arg9[%add3A_37, %dma_start3A_159] : memref<10112x128xf32, #tpu.memory_space<vmem_shared>> -> memref<128x128xf32, #tpu.memory_space<vmem_shared>>
      %dma_start3A_161 = arith.constant 0 : i32
      %dma_start3A_162 = tpu.memref_slice %arg9[%add3A_37, %dma_start3A_161] : memref<10112x128xf32, #tpu.memory_space<vmem_shared>> -> memref<128x128xf32, #tpu.memory_space<vmem_shared>>
      %dma_start3A_163 = arith.constant 0 : i32
      %dma_start3A_164 = arith.constant 0 : i32
      %dma_start3A_165 = tpu.memref_slice %arg8[%run_scoped3A_38, %dma_start3A_163, %dma_start3A_164] : memref<2x128x128xf32, #tpu.memory_space<vmem>> -> memref<1x128x128xf32, #tpu.memory_space<vmem>>
      %dma_start3A_166 = tpu.memref_squeeze %dma_start3A_165 : memref<1x128x128xf32, #tpu.memory_space<vmem>> -> memref<128x128xf32, #tpu.memory_space<vmem>>
      tpu.enqueue_dma source(%dma_start3A_166 : memref<128x128xf32, #tpu.memory_space<vmem>>) target(%dma_start3A_162 : memref<128x128xf32, #tpu.memory_space<vmem_shared>>) target_semaphore(%run_scoped3A_154 : memref<!tpu.dma_semaphore, #tpu.memory_space<semaphore_mem>>)
      %dma_wait3A_167 = arith.constant 0 : i32
      %dma_wait3A_168 = arith.constant 0 : i32
      %dma_wait3A_169 = tpu.memref_slice %arg8[%run_scoped3A_38, %dma_wait3A_167, %dma_wait3A_168] : memref<2x128x128xf32, #tpu.memory_space<vmem>> -> memref<1x128x128xf32, #tpu.memory_space<vmem>>
      %dma_wait3A_170 = tpu.memref_squeeze %dma_wait3A_169 : memref<1x128x128xf32, #tpu.memory_space<vmem>> -> memref<128x128xf32, #tpu.memory_space<vmem>>
      %dma_wait3A_171 = arith.constant 0 : i32
      %dma_wait3A_172 = tpu.memref_slice %arg9[%add3A_37, %dma_wait3A_171] : memref<10112x128xf32, #tpu.memory_space<vmem_shared>> -> memref<128x128xf32, #tpu.memory_space<vmem_shared>>
      %dma_wait3A_173 = arith.constant 0 : i32
      %dma_wait3A_174 = tpu.memref_slice %arg9[%add3A_37, %dma_wait3A_173] : memref<10112x128xf32, #tpu.memory_space<vmem_shared>> -> memref<128x128xf32, #tpu.memory_space<vmem_shared>>
      %dma_wait3A_175 = arith.constant 0 : i32
      %dma_wait3A_176 = arith.constant 0 : i32
      %dma_wait3A_177 = tpu.memref_slice %arg8[%run_scoped3A_38, %dma_wait3A_175, %dma_wait3A_176] : memref<2x128x128xf32, #tpu.memory_space<vmem>> -> memref<1x128x128xf32, #tpu.memory_space<vmem>>
      %dma_wait3A_178 = tpu.memref_squeeze %dma_wait3A_177 : memref<1x128x128xf32, #tpu.memory_space<vmem>> -> memref<128x128xf32, #tpu.memory_space<vmem>>
      tpu.wait_dma2 semaphore(%run_scoped3A_154 : memref<!tpu.dma_semaphore, #tpu.memory_space<semaphore_mem>>) src(%dma_wait3A_178 : memref<128x128xf32, #tpu.memory_space<vmem>>) dst(%dma_wait3A_174 : memref<128x128xf32, #tpu.memory_space<vmem_shared>>)
      tpu.yield
    }) : () -> ()
    %mul3A_39 = arith.constant 632 : i32
    %mul3A_40 = arith.muli %arg1, %mul3A_39 : i32
    %add3A_41 = arith.constant 512 : i32
    %add3A_42 = arith.addi %mul3A_40, %add3A_41 : i32
    %run_scoped3A_43 = arith.constant 1 : i32
    "tpu.region"() ({
      %run_scoped3A_154 = tpu.sem_alloc : memref<!tpu.dma_semaphore, #tpu.memory_space<semaphore_mem>>
      %dma_start3A_155 = arith.constant 0 : i32
      %dma_start3A_156 = arith.constant 0 : i32
      %dma_start3A_157 = tpu.memref_slice %arg8[%run_scoped3A_43, %dma_start3A_155, %dma_start3A_156] : memref<2x128x128xf32, #tpu.memory_space<vmem>> -> memref<1x120x128xf32, #tpu.memory_space<vmem>>
      %dma_start3A_158 = tpu.memref_squeeze %dma_start3A_157 : memref<1x120x128xf32, #tpu.memory_space<vmem>> -> memref<120x128xf32, #tpu.memory_space<vmem>>
      %dma_start3A_159 = arith.constant 0 : i32
      %dma_start3A_160 = tpu.memref_slice %arg9[%add3A_42, %dma_start3A_159] : memref<10112x128xf32, #tpu.memory_space<vmem_shared>> -> memref<120x128xf32, #tpu.memory_space<vmem_shared>>
      %dma_start3A_161 = arith.constant 0 : i32
      %dma_start3A_162 = tpu.memref_slice %arg9[%add3A_42, %dma_start3A_161] : memref<10112x128xf32, #tpu.memory_space<vmem_shared>> -> memref<120x128xf32, #tpu.memory_space<vmem_shared>>
      %dma_start3A_163 = arith.constant 0 : i32
      %dma_start3A_164 = arith.constant 0 : i32
      %dma_start3A_165 = tpu.memref_slice %arg8[%run_scoped3A_43, %dma_start3A_163, %dma_start3A_164] : memref<2x128x128xf32, #tpu.memory_space<vmem>> -> memref<1x120x128xf32, #tpu.memory_space<vmem>>
      %dma_start3A_166 = tpu.memref_squeeze %dma_start3A_165 : memref<1x120x128xf32, #tpu.memory_space<vmem>> -> memref<120x128xf32, #tpu.memory_space<vmem>>
      tpu.enqueue_dma source(%dma_start3A_166 : memref<120x128xf32, #tpu.memory_space<vmem>>) target(%dma_start3A_162 : memref<120x128xf32, #tpu.memory_space<vmem_shared>>) target_semaphore(%run_scoped3A_154 : memref<!tpu.dma_semaphore, #tpu.memory_space<semaphore_mem>>)
      %dma_wait3A_167 = arith.constant 0 : i32
      %dma_wait3A_168 = arith.constant 0 : i32
      %dma_wait3A_169 = tpu.memref_slice %arg8[%run_scoped3A_43, %dma_wait3A_167, %dma_wait3A_168] : memref<2x128x128xf32, #tpu.memory_space<vmem>> -> memref<1x120x128xf32, #tpu.memory_space<vmem>>
      %dma_wait3A_170 = tpu.memref_squeeze %dma_wait3A_169 : memref<1x120x128xf32, #tpu.memory_space<vmem>> -> memref<120x128xf32, #tpu.memory_space<vmem>>
      %dma_wait3A_171 = arith.constant 0 : i32
      %dma_wait3A_172 = tpu.memref_slice %arg9[%add3A_42, %dma_wait3A_171] : memref<10112x128xf32, #tpu.memory_space<vmem_shared>> -> memref<120x128xf32, #tpu.memory_space<vmem_shared>>
      %dma_wait3A_173 = arith.constant 0 : i32
      %dma_wait3A_174 = tpu.memref_slice %arg9[%add3A_42, %dma_wait3A_173] : memref<10112x128xf32, #tpu.memory_space<vmem_shared>> -> memref<120x128xf32, #tpu.memory_space<vmem_shared>>
      %dma_wait3A_175 = arith.constant 0 : i32
      %dma_wait3A_176 = arith.constant 0 : i32
      %dma_wait3A_177 = tpu.memref_slice %arg8[%run_scoped3A_43, %dma_wait3A_175, %dma_wait3A_176] : memref<2x128x128xf32, #tpu.memory_space<vmem>> -> memref<1x120x128xf32, #tpu.memory_space<vmem>>
      %dma_wait3A_178 = tpu.memref_squeeze %dma_wait3A_177 : memref<1x120x128xf32, #tpu.memory_space<vmem>> -> memref<120x128xf32, #tpu.memory_space<vmem>>
      tpu.wait_dma2 semaphore(%run_scoped3A_154 : memref<!tpu.dma_semaphore, #tpu.memory_space<semaphore_mem>>) src(%dma_wait3A_178 : memref<120x128xf32, #tpu.memory_space<vmem>>) dst(%dma_wait3A_174 : memref<120x128xf32, #tpu.memory_space<vmem_shared>>)
      tpu.yield
    }) : () -> ()
    %barrier3A = arith.constant 0 : index
    tpu.barrier barrier_id(%barrier3A)
    %dma_start3A_44 = arith.constant 1 : i32
    %dma_start3A_45 = arith.constant 1 : i32
    %dma_start3A_46 = arith.constant 0 : i32
    %dma_start3A_47 = arith.constant 0 : i32
    %dma_start3A_48 = tpu.memref_slice %arg8[%dma_start3A_45, %dma_start3A_46, %dma_start3A_47] : memref<2x128x128xf32, #tpu.memory_space<vmem>> -> memref<1x128x128xf32, #tpu.memory_space<vmem>>
    %dma_start3A_49 = tpu.memref_squeeze %dma_start3A_48 : memref<1x128x128xf32, #tpu.memory_space<vmem>> -> memref<128x128xf32, #tpu.memory_space<vmem>>
    %dma_start3A_50 = arith.constant 0 : i32
    %dma_start3A_51 = tpu.memref_slice %arg6[%dma_start3A_44, %dma_start3A_50] : memref<40x128xi32, #tpu.memory_space<vmem>> -> memref<1x128xi32, #tpu.memory_space<vmem>>
    %dma_start3A_52 = tpu.memref_squeeze %dma_start3A_51 : memref<1x128xi32, #tpu.memory_space<vmem>> -> memref<128xi32, #tpu.memory_space<vmem>>
    %dma_start3A_53 = arith.constant 0 : i32
    %dma_start3A_54 = arith.constant 0 : i32
    %dma_start3A_55 = tpu.memref_slice %arg2[%dma_start3A_53, %dma_start3A_54] : memref<270000x128xf32, #tpu.memory_space<hbm>> -> memref<270000x128xf32, #tpu.memory_space<hbm>>
    tpu.enqueue_indirect_dma source(%dma_start3A_55 : memref<270000x128xf32, #tpu.memory_space<hbm>>) target(%dma_start3A_49 : memref<128x128xf32, #tpu.memory_space<vmem>>) offsets(%dma_start3A_52 : memref<128xi32, #tpu.memory_space<vmem>>) semaphore(%arg11 : memref<!tpu.dma_semaphore, #tpu.memory_space<semaphore_mem>>)
    %scan3A_56 = arith.constant 0 : i32
    %scan3A_57 = arith.constant 0 : i32
    %scan3A_58 = arith.constant 19 : i32
    %scan3A_59 = arith.addi %scan3A_57, %scan3A_58 : i32
    %scan3A_60 = arith.constant 1 : i32
    scf.for %scan3A_154 = %scan3A_57 to %scan3A_59 step %scan3A_60  : i32 {
      %mul3A_155 = arith.constant 2 : i32
      %mul3A_156 = arith.muli %scan3A_154, %mul3A_155 : i32
      %dma_wait3A_157 = arith.constant 0 : i32
      %dma_wait3A_158 = arith.constant 0 : i32
      %dma_wait3A_159 = arith.constant 0 : i32
      %dma_wait3A_160 = tpu.memref_slice %arg8[%dma_wait3A_157, %dma_wait3A_158, %dma_wait3A_159] : memref<2x128x128xf32, #tpu.memory_space<vmem>> -> memref<1x128x128xf32, #tpu.memory_space<vmem>>
      %dma_wait3A_161 = tpu.memref_squeeze %dma_wait3A_160 : memref<1x128x128xf32, #tpu.memory_space<vmem>> -> memref<128x128xf32, #tpu.memory_space<vmem>>
      %dma_wait3A_162 = arith.constant 0 : i32
      %dma_wait3A_163 = tpu.memref_slice %arg6[%mul3A_156, %dma_wait3A_162] : memref<40x128xi32, #tpu.memory_space<vmem>> -> memref<1x128xi32, #tpu.memory_space<vmem>>
      %dma_wait3A_164 = tpu.memref_squeeze %dma_wait3A_163 : memref<1x128xi32, #tpu.memory_space<vmem>> -> memref<128xi32, #tpu.memory_space<vmem>>
      %dma_wait3A_165 = arith.constant 0 : i32
      %dma_wait3A_166 = arith.constant 0 : i32
      %dma_wait3A_167 = tpu.memref_slice %arg2[%dma_wait3A_165, %dma_wait3A_166] : memref<270000x128xf32, #tpu.memory_space<hbm>> -> memref<270000x128xf32, #tpu.memory_space<hbm>>
      tpu.wait_indirect_dma semaphore(%arg10 : memref<!tpu.dma_semaphore, #tpu.memory_space<semaphore_mem>>) src(%dma_wait3A_167 : memref<270000x128xf32, #tpu.memory_space<hbm>>) dst(%dma_wait3A_161 : memref<128x128xf32, #tpu.memory_space<vmem>>)
      %run_scoped3A_168 = arith.constant 0 : i32
      "tpu.region"() ({
        %run_scoped3A_211 = tpu.sem_alloc : memref<!tpu.dma_semaphore, #tpu.memory_space<semaphore_mem>>
        %dma_start3A_212 = arith.constant 0 : i32
        %dma_start3A_213 = arith.constant 0 : i32
        %dma_start3A_214 = tpu.memref_slice %arg8[%run_scoped3A_168, %dma_start3A_212, %dma_start3A_213] : memref<2x128x128xf32, #tpu.memory_space<vmem>> -> memref<1x128x128xf32, #tpu.memory_space<vmem>>
        %dma_start3A_215 = tpu.memref_squeeze %dma_start3A_214 : memref<1x128x128xf32, #tpu.memory_space<vmem>> -> memref<128x128xf32, #tpu.memory_space<vmem>>
        %dma_start3A_216 = arith.constant 0 : i32
        %dma_start3A_217 = tpu.memref_slice %arg7[%mul3A_156, %dma_start3A_216] : memref<40x128xi32, #tpu.memory_space<vmem>> -> memref<1x128xi32, #tpu.memory_space<vmem>>
        %dma_start3A_218 = tpu.memref_squeeze %dma_start3A_217 : memref<1x128xi32, #tpu.memory_space<vmem>> -> memref<128xi32, #tpu.memory_space<vmem>>
        %dma_start3A_219 = arith.constant 0 : i32
        %dma_start3A_220 = arith.constant 0 : i32
        %dma_start3A_221 = tpu.memref_slice %arg9[%dma_start3A_219, %dma_start3A_220] : memref<10112x128xf32, #tpu.memory_space<vmem_shared>> -> memref<10112x128xf32, #tpu.memory_space<vmem_shared>>
        tpu.enqueue_indirect_dma source(%dma_start3A_215 : memref<128x128xf32, #tpu.memory_space<vmem>>) target(%dma_start3A_221 : memref<10112x128xf32, #tpu.memory_space<vmem_shared>>) offsets(%dma_start3A_218 : memref<128xi32, #tpu.memory_space<vmem>>) semaphore(%run_scoped3A_211 : memref<!tpu.dma_semaphore, #tpu.memory_space<semaphore_mem>>) {add = true}
        %dma_wait3A_222 = arith.constant 0 : i32
        %dma_wait3A_223 = arith.constant 0 : i32
        %dma_wait3A_224 = tpu.memref_slice %arg8[%run_scoped3A_168, %dma_wait3A_222, %dma_wait3A_223] : memref<2x128x128xf32, #tpu.memory_space<vmem>> -> memref<1x128x128xf32, #tpu.memory_space<vmem>>
        %dma_wait3A_225 = tpu.memref_squeeze %dma_wait3A_224 : memref<1x128x128xf32, #tpu.memory_space<vmem>> -> memref<128x128xf32, #tpu.memory_space<vmem>>
        %dma_wait3A_226 = arith.constant 0 : i32
        %dma_wait3A_227 = tpu.memref_slice %arg7[%mul3A_156, %dma_wait3A_226] : memref<40x128xi32, #tpu.memory_space<vmem>> -> memref<1x128xi32, #tpu.memory_space<vmem>>
        %dma_wait3A_228 = tpu.memref_squeeze %dma_wait3A_227 : memref<1x128xi32, #tpu.memory_space<vmem>> -> memref<128xi32, #tpu.memory_space<vmem>>
        %dma_wait3A_229 = arith.constant 0 : i32
        %dma_wait3A_230 = arith.constant 0 : i32
        %dma_wait3A_231 = tpu.memref_slice %arg9[%dma_wait3A_229, %dma_wait3A_230] : memref<10112x128xf32, #tpu.memory_space<vmem_shared>> -> memref<10112x128xf32, #tpu.memory_space<vmem_shared>>
        tpu.wait_indirect_dma semaphore(%run_scoped3A_211 : memref<!tpu.dma_semaphore, #tpu.memory_space<semaphore_mem>>) src(%dma_wait3A_225 : memref<128x128xf32, #tpu.memory_space<vmem>>) dst(%dma_wait3A_231 : memref<10112x128xf32, #tpu.memory_space<vmem_shared>>)
        tpu.yield
      }) : () -> ()
      %add3A_169 = arith.constant 2 : i32
      %add3A_170 = arith.addi %mul3A_156, %add3A_169 : i32
      %dma_start3A_171 = arith.constant 0 : i32
      %dma_start3A_172 = arith.constant 0 : i32
      %dma_start3A_173 = arith.constant 0 : i32
      %dma_start3A_174 = tpu.memref_slice %arg8[%dma_start3A_171, %dma_start3A_172, %dma_start3A_173] : memref<2x128x128xf32, #tpu.memory_space<vmem>> -> memref<1x128x128xf32, #tpu.memory_space<vmem>>
      %dma_start3A_175 = tpu.memref_squeeze %dma_start3A_174 : memref<1x128x128xf32, #tpu.memory_space<vmem>> -> memref<128x128xf32, #tpu.memory_space<vmem>>
      %dma_start3A_176 = arith.constant 0 : i32
      %dma_start3A_177 = tpu.memref_slice %arg6[%add3A_170, %dma_start3A_176] : memref<40x128xi32, #tpu.memory_space<vmem>> -> memref<1x128xi32, #tpu.memory_space<vmem>>
      %dma_start3A_178 = tpu.memref_squeeze %dma_start3A_177 : memref<1x128xi32, #tpu.memory_space<vmem>> -> memref<128xi32, #tpu.memory_space<vmem>>
      %dma_start3A_179 = arith.constant 0 : i32
      %dma_start3A_180 = arith.constant 0 : i32
      %dma_start3A_181 = tpu.memref_slice %arg2[%dma_start3A_179, %dma_start3A_180] : memref<270000x128xf32, #tpu.memory_space<hbm>> -> memref<270000x128xf32, #tpu.memory_space<hbm>>
      tpu.enqueue_indirect_dma source(%dma_start3A_181 : memref<270000x128xf32, #tpu.memory_space<hbm>>) target(%dma_start3A_175 : memref<128x128xf32, #tpu.memory_space<vmem>>) offsets(%dma_start3A_178 : memref<128xi32, #tpu.memory_space<vmem>>) semaphore(%arg10 : memref<!tpu.dma_semaphore, #tpu.memory_space<semaphore_mem>>)
      %add3A_182 = arith.constant 1 : i32
      %add3A_183 = arith.addi %mul3A_156, %add3A_182 : i32
      %dma_wait3A_184 = arith.constant 1 : i32
      %dma_wait3A_185 = arith.constant 0 : i32
      %dma_wait3A_186 = arith.constant 0 : i32
      %dma_wait3A_187 = tpu.memref_slice %arg8[%dma_wait3A_184, %dma_wait3A_185, %dma_wait3A_186] : memref<2x128x128xf32, #tpu.memory_space<vmem>> -> memref<1x128x128xf32, #tpu.memory_space<vmem>>
      %dma_wait3A_188 = tpu.memref_squeeze %dma_wait3A_187 : memref<1x128x128xf32, #tpu.memory_space<vmem>> -> memref<128x128xf32, #tpu.memory_space<vmem>>
      %dma_wait3A_189 = arith.constant 0 : i32
      %dma_wait3A_190 = tpu.memref_slice %arg6[%add3A_183, %dma_wait3A_189] : memref<40x128xi32, #tpu.memory_space<vmem>> -> memref<1x128xi32, #tpu.memory_space<vmem>>
      %dma_wait3A_191 = tpu.memref_squeeze %dma_wait3A_190 : memref<1x128xi32, #tpu.memory_space<vmem>> -> memref<128xi32, #tpu.memory_space<vmem>>
      %dma_wait3A_192 = arith.constant 0 : i32
      %dma_wait3A_193 = arith.constant 0 : i32
      %dma_wait3A_194 = tpu.memref_slice %arg2[%dma_wait3A_192, %dma_wait3A_193] : memref<270000x128xf32, #tpu.memory_space<hbm>> -> memref<270000x128xf32, #tpu.memory_space<hbm>>
      tpu.wait_indirect_dma semaphore(%arg11 : memref<!tpu.dma_semaphore, #tpu.memory_space<semaphore_mem>>) src(%dma_wait3A_194 : memref<270000x128xf32, #tpu.memory_space<hbm>>) dst(%dma_wait3A_188 : memref<128x128xf32, #tpu.memory_space<vmem>>)
      %add3A_195 = arith.constant 1 : i32
      %add3A_196 = arith.addi %mul3A_156, %add3A_195 : i32
      %run_scoped3A_197 = arith.constant 1 : i32
      "tpu.region"() ({
        %run_scoped3A_211 = tpu.sem_alloc : memref<!tpu.dma_semaphore, #tpu.memory_space<semaphore_mem>>
        %dma_start3A_212 = arith.constant 0 : i32
        %dma_start3A_213 = arith.constant 0 : i32
        %dma_start3A_214 = tpu.memref_slice %arg8[%run_scoped3A_197, %dma_start3A_212, %dma_start3A_213] : memref<2x128x128xf32, #tpu.memory_space<vmem>> -> memref<1x128x128xf32, #tpu.memory_space<vmem>>
        %dma_start3A_215 = tpu.memref_squeeze %dma_start3A_214 : memref<1x128x128xf32, #tpu.memory_space<vmem>> -> memref<128x128xf32, #tpu.memory_space<vmem>>
        %dma_start3A_216 = arith.constant 0 : i32
        %dma_start3A_217 = tpu.memref_slice %arg7[%add3A_196, %dma_start3A_216] : memref<40x128xi32, #tpu.memory_space<vmem>> -> memref<1x128xi32, #tpu.memory_space<vmem>>
        %dma_start3A_218 = tpu.memref_squeeze %dma_start3A_217 : memref<1x128xi32, #tpu.memory_space<vmem>> -> memref<128xi32, #tpu.memory_space<vmem>>
        %dma_start3A_219 = arith.constant 0 : i32
        %dma_start3A_220 = arith.constant 0 : i32
        %dma_start3A_221 = tpu.memref_slice %arg9[%dma_start3A_219, %dma_start3A_220] : memref<10112x128xf32, #tpu.memory_space<vmem_shared>> -> memref<10112x128xf32, #tpu.memory_space<vmem_shared>>
        tpu.enqueue_indirect_dma source(%dma_start3A_215 : memref<128x128xf32, #tpu.memory_space<vmem>>) target(%dma_start3A_221 : memref<10112x128xf32, #tpu.memory_space<vmem_shared>>) offsets(%dma_start3A_218 : memref<128xi32, #tpu.memory_space<vmem>>) semaphore(%run_scoped3A_211 : memref<!tpu.dma_semaphore, #tpu.memory_space<semaphore_mem>>) {add = true}
        %dma_wait3A_222 = arith.constant 0 : i32
        %dma_wait3A_223 = arith.constant 0 : i32
        %dma_wait3A_224 = tpu.memref_slice %arg8[%run_scoped3A_197, %dma_wait3A_222, %dma_wait3A_223] : memref<2x128x128xf32, #tpu.memory_space<vmem>> -> memref<1x128x128xf32, #tpu.memory_space<vmem>>
        %dma_wait3A_225 = tpu.memref_squeeze %dma_wait3A_224 : memref<1x128x128xf32, #tpu.memory_space<vmem>> -> memref<128x128xf32, #tpu.memory_space<vmem>>
        %dma_wait3A_226 = arith.constant 0 : i32
        %dma_wait3A_227 = tpu.memref_slice %arg7[%add3A_196, %dma_wait3A_226] : memref<40x128xi32, #tpu.memory_space<vmem>> -> memref<1x128xi32, #tpu.memory_space<vmem>>
        %dma_wait3A_228 = tpu.memref_squeeze %dma_wait3A_227 : memref<1x128xi32, #tpu.memory_space<vmem>> -> memref<128xi32, #tpu.memory_space<vmem>>
        %dma_wait3A_229 = arith.constant 0 : i32
        %dma_wait3A_230 = arith.constant 0 : i32
        %dma_wait3A_231 = tpu.memref_slice %arg9[%dma_wait3A_229, %dma_wait3A_230] : memref<10112x128xf32, #tpu.memory_space<vmem_shared>> -> memref<10112x128xf32, #tpu.memory_space<vmem_shared>>
        tpu.wait_indirect_dma semaphore(%run_scoped3A_211 : memref<!tpu.dma_semaphore, #tpu.memory_space<semaphore_mem>>) src(%dma_wait3A_225 : memref<128x128xf32, #tpu.memory_space<vmem>>) dst(%dma_wait3A_231 : memref<10112x128xf32, #tpu.memory_space<vmem_shared>>)
        tpu.yield
      }) : () -> ()
      %add3A_198 = arith.constant 3 : i32
      %add3A_199 = arith.addi %mul3A_156, %add3A_198 : i32
      %dma_start3A_200 = arith.constant 1 : i32
      %dma_start3A_201 = arith.constant 0 : i32
      %dma_start3A_202 = arith.constant 0 : i32
      %dma_start3A_203 = tpu.memref_slice %arg8[%dma_start3A_200, %dma_start3A_201, %dma_start3A_202] : memref<2x128x128xf32, #tpu.memory_space<vmem>> -> memref<1x128x128xf32, #tpu.memory_space<vmem>>
      %dma_start3A_204 = tpu.memref_squeeze %dma_start3A_203 : memref<1x128x128xf32, #tpu.memory_space<vmem>> -> memref<128x128xf32, #tpu.memory_space<vmem>>
      %dma_start3A_205 = arith.constant 0 : i32
      %dma_start3A_206 = tpu.memref_slice %arg6[%add3A_199, %dma_start3A_205] : memref<40x128xi32, #tpu.memory_space<vmem>> -> memref<1x128xi32, #tpu.memory_space<vmem>>
      %dma_start3A_207 = tpu.memref_squeeze %dma_start3A_206 : memref<1x128xi32, #tpu.memory_space<vmem>> -> memref<128xi32, #tpu.memory_space<vmem>>
      %dma_start3A_208 = arith.constant 0 : i32
      %dma_start3A_209 = arith.constant 0 : i32
      %dma_start3A_210 = tpu.memref_slice %arg2[%dma_start3A_208, %dma_start3A_209] : memref<270000x128xf32, #tpu.memory_space<hbm>> -> memref<270000x128xf32, #tpu.memory_space<hbm>>
      tpu.enqueue_indirect_dma source(%dma_start3A_210 : memref<270000x128xf32, #tpu.memory_space<hbm>>) target(%dma_start3A_204 : memref<128x128xf32, #tpu.memory_space<vmem>>) offsets(%dma_start3A_207 : memref<128xi32, #tpu.memory_space<vmem>>) semaphore(%arg11 : memref<!tpu.dma_semaphore, #tpu.memory_space<semaphore_mem>>)
    }
    %scan3A_61 = arith.constant 19 : i32
    %dma_wait3A = arith.constant 38 : i32
    %dma_wait3A_62 = arith.constant 0 : i32
    %dma_wait3A_63 = arith.constant 0 : i32
    %dma_wait3A_64 = arith.constant 0 : i32
    %dma_wait3A_65 = tpu.memref_slice %arg8[%dma_wait3A_62, %dma_wait3A_63, %dma_wait3A_64] : memref<2x128x128xf32, #tpu.memory_space<vmem>> -> memref<1x128x128xf32, #tpu.memory_space<vmem>>
    %dma_wait3A_66 = tpu.memref_squeeze %dma_wait3A_65 : memref<1x128x128xf32, #tpu.memory_space<vmem>> -> memref<128x128xf32, #tpu.memory_space<vmem>>
    %dma_wait3A_67 = arith.constant 0 : i32
    %dma_wait3A_68 = tpu.memref_slice %arg6[%dma_wait3A, %dma_wait3A_67] : memref<40x128xi32, #tpu.memory_space<vmem>> -> memref<1x128xi32, #tpu.memory_space<vmem>>
    %dma_wait3A_69 = tpu.memref_squeeze %dma_wait3A_68 : memref<1x128xi32, #tpu.memory_space<vmem>> -> memref<128xi32, #tpu.memory_space<vmem>>
    %dma_wait3A_70 = arith.constant 0 : i32
    %dma_wait3A_71 = arith.constant 0 : i32
    %dma_wait3A_72 = tpu.memref_slice %arg2[%dma_wait3A_70, %dma_wait3A_71] : memref<270000x128xf32, #tpu.memory_space<hbm>> -> memref<270000x128xf32, #tpu.memory_space<hbm>>
    tpu.wait_indirect_dma semaphore(%arg10 : memref<!tpu.dma_semaphore, #tpu.memory_space<semaphore_mem>>) src(%dma_wait3A_72 : memref<270000x128xf32, #tpu.memory_space<hbm>>) dst(%dma_wait3A_66 : memref<128x128xf32, #tpu.memory_space<vmem>>)
    %run_scoped3A_73 = arith.constant 0 : i32
    %run_scoped3A_74 = arith.constant 38 : i32
    "tpu.region"() ({
      %run_scoped3A_154 = tpu.sem_alloc : memref<!tpu.dma_semaphore, #tpu.memory_space<semaphore_mem>>
      %dma_start3A_155 = arith.constant 0 : i32
      %dma_start3A_156 = arith.constant 0 : i32
      %dma_start3A_157 = tpu.memref_slice %arg8[%run_scoped3A_73, %dma_start3A_155, %dma_start3A_156] : memref<2x128x128xf32, #tpu.memory_space<vmem>> -> memref<1x128x128xf32, #tpu.memory_space<vmem>>
      %dma_start3A_158 = tpu.memref_squeeze %dma_start3A_157 : memref<1x128x128xf32, #tpu.memory_space<vmem>> -> memref<128x128xf32, #tpu.memory_space<vmem>>
      %dma_start3A_159 = arith.constant 0 : i32
      %dma_start3A_160 = tpu.memref_slice %arg7[%run_scoped3A_74, %dma_start3A_159] : memref<40x128xi32, #tpu.memory_space<vmem>> -> memref<1x128xi32, #tpu.memory_space<vmem>>
      %dma_start3A_161 = tpu.memref_squeeze %dma_start3A_160 : memref<1x128xi32, #tpu.memory_space<vmem>> -> memref<128xi32, #tpu.memory_space<vmem>>
      %dma_start3A_162 = arith.constant 0 : i32
      %dma_start3A_163 = arith.constant 0 : i32
      %dma_start3A_164 = tpu.memref_slice %arg9[%dma_start3A_162, %dma_start3A_163] : memref<10112x128xf32, #tpu.memory_space<vmem_shared>> -> memref<10112x128xf32, #tpu.memory_space<vmem_shared>>
      tpu.enqueue_indirect_dma source(%dma_start3A_158 : memref<128x128xf32, #tpu.memory_space<vmem>>) target(%dma_start3A_164 : memref<10112x128xf32, #tpu.memory_space<vmem_shared>>) offsets(%dma_start3A_161 : memref<128xi32, #tpu.memory_space<vmem>>) semaphore(%run_scoped3A_154 : memref<!tpu.dma_semaphore, #tpu.memory_space<semaphore_mem>>) {add = true}
      %dma_wait3A_165 = arith.constant 0 : i32
      %dma_wait3A_166 = arith.constant 0 : i32
      %dma_wait3A_167 = tpu.memref_slice %arg8[%run_scoped3A_73, %dma_wait3A_165, %dma_wait3A_166] : memref<2x128x128xf32, #tpu.memory_space<vmem>> -> memref<1x128x128xf32, #tpu.memory_space<vmem>>
      %dma_wait3A_168 = tpu.memref_squeeze %dma_wait3A_167 : memref<1x128x128xf32, #tpu.memory_space<vmem>> -> memref<128x128xf32, #tpu.memory_space<vmem>>
      %dma_wait3A_169 = arith.constant 0 : i32
      %dma_wait3A_170 = tpu.memref_slice %arg7[%run_scoped3A_74, %dma_wait3A_169] : memref<40x128xi32, #tpu.memory_space<vmem>> -> memref<1x128xi32, #tpu.memory_space<vmem>>
      %dma_wait3A_171 = tpu.memref_squeeze %dma_wait3A_170 : memref<1x128xi32, #tpu.memory_space<vmem>> -> memref<128xi32, #tpu.memory_space<vmem>>
      %dma_wait3A_172 = arith.constant 0 : i32
      %dma_wait3A_173 = arith.constant 0 : i32
      %dma_wait3A_174 = tpu.memref_slice %arg9[%dma_wait3A_172, %dma_wait3A_173] : memref<10112x128xf32, #tpu.memory_space<vmem_shared>> -> memref<10112x128xf32, #tpu.memory_space<vmem_shared>>
      tpu.wait_indirect_dma semaphore(%run_scoped3A_154 : memref<!tpu.dma_semaphore, #tpu.memory_space<semaphore_mem>>) src(%dma_wait3A_168 : memref<128x128xf32, #tpu.memory_space<vmem>>) dst(%dma_wait3A_174 : memref<10112x128xf32, #tpu.memory_space<vmem_shared>>)
      tpu.yield
    }) : () -> ()
    %dma_wait3A_75 = arith.constant 39 : i32
    %dma_wait3A_76 = arith.constant 1 : i32
    %dma_wait3A_77 = arith.constant 0 : i32
    %dma_wait3A_78 = arith.constant 0 : i32
    %dma_wait3A_79 = tpu.memref_slice %arg8[%dma_wait3A_76, %dma_wait3A_77, %dma_wait3A_78] : memref<2x128x128xf32, #tpu.memory_space<vmem>> -> memref<1x128x128xf32, #tpu.memory_space<vmem>>
    %dma_wait3A_80 = tpu.memref_squeeze %dma_wait3A_79 : memref<1x128x128xf32, #tpu.memory_space<vmem>> -> memref<128x128xf32, #tpu.memory_space<vmem>>
    %dma_wait3A_81 = arith.constant 0 : i32
    %dma_wait3A_82 = tpu.memref_slice %arg6[%dma_wait3A_75, %dma_wait3A_81] : memref<40x128xi32, #tpu.memory_space<vmem>> -> memref<1x128xi32, #tpu.memory_space<vmem>>
    %dma_wait3A_83 = tpu.memref_squeeze %dma_wait3A_82 : memref<1x128xi32, #tpu.memory_space<vmem>> -> memref<128xi32, #tpu.memory_space<vmem>>
    %dma_wait3A_84 = arith.constant 0 : i32
    %dma_wait3A_85 = arith.constant 0 : i32
    %dma_wait3A_86 = tpu.memref_slice %arg2[%dma_wait3A_84, %dma_wait3A_85] : memref<270000x128xf32, #tpu.memory_space<hbm>> -> memref<270000x128xf32, #tpu.memory_space<hbm>>
    tpu.wait_indirect_dma semaphore(%arg11 : memref<!tpu.dma_semaphore, #tpu.memory_space<semaphore_mem>>) src(%dma_wait3A_86 : memref<270000x128xf32, #tpu.memory_space<hbm>>) dst(%dma_wait3A_80 : memref<128x128xf32, #tpu.memory_space<vmem>>)
    %run_scoped3A_87 = arith.constant 1 : i32
    %run_scoped3A_88 = arith.constant 39 : i32
    "tpu.region"() ({
      %run_scoped3A_154 = tpu.sem_alloc : memref<!tpu.dma_semaphore, #tpu.memory_space<semaphore_mem>>
      %dma_start3A_155 = arith.constant 0 : i32
      %dma_start3A_156 = arith.constant 0 : i32
      %dma_start3A_157 = tpu.memref_slice %arg8[%run_scoped3A_87, %dma_start3A_155, %dma_start3A_156] : memref<2x128x128xf32, #tpu.memory_space<vmem>> -> memref<1x128x128xf32, #tpu.memory_space<vmem>>
      %dma_start3A_158 = tpu.memref_squeeze %dma_start3A_157 : memref<1x128x128xf32, #tpu.memory_space<vmem>> -> memref<128x128xf32, #tpu.memory_space<vmem>>
      %dma_start3A_159 = arith.constant 0 : i32
      %dma_start3A_160 = tpu.memref_slice %arg7[%run_scoped3A_88, %dma_start3A_159] : memref<40x128xi32, #tpu.memory_space<vmem>> -> memref<1x128xi32, #tpu.memory_space<vmem>>
      %dma_start3A_161 = tpu.memref_squeeze %dma_start3A_160 : memref<1x128xi32, #tpu.memory_space<vmem>> -> memref<128xi32, #tpu.memory_space<vmem>>
      %dma_start3A_162 = arith.constant 0 : i32
      %dma_start3A_163 = arith.constant 0 : i32
      %dma_start3A_164 = tpu.memref_slice %arg9[%dma_start3A_162, %dma_start3A_163] : memref<10112x128xf32, #tpu.memory_space<vmem_shared>> -> memref<10112x128xf32, #tpu.memory_space<vmem_shared>>
      tpu.enqueue_indirect_dma source(%dma_start3A_158 : memref<128x128xf32, #tpu.memory_space<vmem>>) target(%dma_start3A_164 : memref<10112x128xf32, #tpu.memory_space<vmem_shared>>) offsets(%dma_start3A_161 : memref<128xi32, #tpu.memory_space<vmem>>) semaphore(%run_scoped3A_154 : memref<!tpu.dma_semaphore, #tpu.memory_space<semaphore_mem>>) {add = true}
      %dma_wait3A_165 = arith.constant 0 : i32
      %dma_wait3A_166 = arith.constant 0 : i32
      %dma_wait3A_167 = tpu.memref_slice %arg8[%run_scoped3A_87, %dma_wait3A_165, %dma_wait3A_166] : memref<2x128x128xf32, #tpu.memory_space<vmem>> -> memref<1x128x128xf32, #tpu.memory_space<vmem>>
      %dma_wait3A_168 = tpu.memref_squeeze %dma_wait3A_167 : memref<1x128x128xf32, #tpu.memory_space<vmem>> -> memref<128x128xf32, #tpu.memory_space<vmem>>
      %dma_wait3A_169 = arith.constant 0 : i32
      %dma_wait3A_170 = tpu.memref_slice %arg7[%run_scoped3A_88, %dma_wait3A_169] : memref<40x128xi32, #tpu.memory_space<vmem>> -> memref<1x128xi32, #tpu.memory_space<vmem>>
      %dma_wait3A_171 = tpu.memref_squeeze %dma_wait3A_170 : memref<1x128xi32, #tpu.memory_space<vmem>> -> memref<128xi32, #tpu.memory_space<vmem>>
      %dma_wait3A_172 = arith.constant 0 : i32
      %dma_wait3A_173 = arith.constant 0 : i32
      %dma_wait3A_174 = tpu.memref_slice %arg9[%dma_wait3A_172, %dma_wait3A_173] : memref<10112x128xf32, #tpu.memory_space<vmem_shared>> -> memref<10112x128xf32, #tpu.memory_space<vmem_shared>>
      tpu.wait_indirect_dma semaphore(%run_scoped3A_154 : memref<!tpu.dma_semaphore, #tpu.memory_space<semaphore_mem>>) src(%dma_wait3A_168 : memref<128x128xf32, #tpu.memory_space<vmem>>) dst(%dma_wait3A_174 : memref<10112x128xf32, #tpu.memory_space<vmem_shared>>)
      tpu.yield
    }) : () -> ()
    %run_scoped3A_89 = arith.constant 1 : i32
    "tpu.region"() ({
      %run_scoped3A_154 = tpu.sem_alloc : memref<!tpu.dma_semaphore, #tpu.memory_space<semaphore_mem>>
      %dma_start3A_155 = arith.constant 0 : i32
      %dma_start3A_156 = arith.constant 0 : i32
      %dma_start3A_157 = tpu.memref_slice %arg3[%add3A, %run_scoped3A_89, %dma_start3A_155, %dma_start3A_156] : memref<32x2x40x128xi32, #tpu.memory_space<hbm>> -> memref<1x1x40x128xi32, #tpu.memory_space<hbm>>
      %dma_start3A_158 = tpu.memref_squeeze %dma_start3A_157 : memref<1x1x40x128xi32, #tpu.memory_space<hbm>> -> memref<40x128xi32, #tpu.memory_space<hbm>>
      %dma_start3A_159 = arith.constant 0 : i32
      %dma_start3A_160 = arith.constant 0 : i32
      %dma_start3A_161 = tpu.memref_slice %arg3[%add3A, %run_scoped3A_89, %dma_start3A_159, %dma_start3A_160] : memref<32x2x40x128xi32, #tpu.memory_space<hbm>> -> memref<1x1x40x128xi32, #tpu.memory_space<hbm>>
      %dma_start3A_162 = tpu.memref_squeeze %dma_start3A_161 : memref<1x1x40x128xi32, #tpu.memory_space<hbm>> -> memref<40x128xi32, #tpu.memory_space<hbm>>
      tpu.enqueue_dma source(%dma_start3A_162 : memref<40x128xi32, #tpu.memory_space<hbm>>) target(%arg6 : memref<40x128xi32, #tpu.memory_space<vmem>>) target_semaphore(%run_scoped3A_154 : memref<!tpu.dma_semaphore, #tpu.memory_space<semaphore_mem>>)
      %dma_wait3A_163 = arith.constant 0 : i32
      %dma_wait3A_164 = arith.constant 0 : i32
      %dma_wait3A_165 = tpu.memref_slice %arg3[%add3A, %run_scoped3A_89, %dma_wait3A_163, %dma_wait3A_164] : memref<32x2x40x128xi32, #tpu.memory_space<hbm>> -> memref<1x1x40x128xi32, #tpu.memory_space<hbm>>
      %dma_wait3A_166 = tpu.memref_squeeze %dma_wait3A_165 : memref<1x1x40x128xi32, #tpu.memory_space<hbm>> -> memref<40x128xi32, #tpu.memory_space<hbm>>
      %dma_wait3A_167 = arith.constant 0 : i32
      %dma_wait3A_168 = arith.constant 0 : i32
      %dma_wait3A_169 = tpu.memref_slice %arg3[%add3A, %run_scoped3A_89, %dma_wait3A_167, %dma_wait3A_168] : memref<32x2x40x128xi32, #tpu.memory_space<hbm>> -> memref<1x1x40x128xi32, #tpu.memory_space<hbm>>
      %dma_wait3A_170 = tpu.memref_squeeze %dma_wait3A_169 : memref<1x1x40x128xi32, #tpu.memory_space<hbm>> -> memref<40x128xi32, #tpu.memory_space<hbm>>
      tpu.wait_dma2 semaphore(%run_scoped3A_154 : memref<!tpu.dma_semaphore, #tpu.memory_space<semaphore_mem>>) src(%dma_wait3A_170 : memref<40x128xi32, #tpu.memory_space<hbm>>) dst(%arg6 : memref<40x128xi32, #tpu.memory_space<vmem>>)
      tpu.yield
    }) : () -> ()
    %run_scoped3A_90 = arith.constant 1 : i32
    "tpu.region"() ({
      %run_scoped3A_154 = tpu.sem_alloc : memref<!tpu.dma_semaphore, #tpu.memory_space<semaphore_mem>>
      %dma_start3A_155 = arith.constant 0 : i32
      %dma_start3A_156 = arith.constant 0 : i32
      %dma_start3A_157 = tpu.memref_slice %arg4[%add3A, %run_scoped3A_90, %dma_start3A_155, %dma_start3A_156] : memref<32x2x40x128xi32, #tpu.memory_space<hbm>> -> memref<1x1x40x128xi32, #tpu.memory_space<hbm>>
      %dma_start3A_158 = tpu.memref_squeeze %dma_start3A_157 : memref<1x1x40x128xi32, #tpu.memory_space<hbm>> -> memref<40x128xi32, #tpu.memory_space<hbm>>
      %dma_start3A_159 = arith.constant 0 : i32
      %dma_start3A_160 = arith.constant 0 : i32
      %dma_start3A_161 = tpu.memref_slice %arg4[%add3A, %run_scoped3A_90, %dma_start3A_159, %dma_start3A_160] : memref<32x2x40x128xi32, #tpu.memory_space<hbm>> -> memref<1x1x40x128xi32, #tpu.memory_space<hbm>>
      %dma_start3A_162 = tpu.memref_squeeze %dma_start3A_161 : memref<1x1x40x128xi32, #tpu.memory_space<hbm>> -> memref<40x128xi32, #tpu.memory_space<hbm>>
      tpu.enqueue_dma source(%dma_start3A_162 : memref<40x128xi32, #tpu.memory_space<hbm>>) target(%arg7 : memref<40x128xi32, #tpu.memory_space<vmem>>) target_semaphore(%run_scoped3A_154 : memref<!tpu.dma_semaphore, #tpu.memory_space<semaphore_mem>>)
      %dma_wait3A_163 = arith.constant 0 : i32
      %dma_wait3A_164 = arith.constant 0 : i32
      %dma_wait3A_165 = tpu.memref_slice %arg4[%add3A, %run_scoped3A_90, %dma_wait3A_163, %dma_wait3A_164] : memref<32x2x40x128xi32, #tpu.memory_space<hbm>> -> memref<1x1x40x128xi32, #tpu.memory_space<hbm>>
      %dma_wait3A_166 = tpu.memref_squeeze %dma_wait3A_165 : memref<1x1x40x128xi32, #tpu.memory_space<hbm>> -> memref<40x128xi32, #tpu.memory_space<hbm>>
      %dma_wait3A_167 = arith.constant 0 : i32
      %dma_wait3A_168 = arith.constant 0 : i32
      %dma_wait3A_169 = tpu.memref_slice %arg4[%add3A, %run_scoped3A_90, %dma_wait3A_167, %dma_wait3A_168] : memref<32x2x40x128xi32, #tpu.memory_space<hbm>> -> memref<1x1x40x128xi32, #tpu.memory_space<hbm>>
      %dma_wait3A_170 = tpu.memref_squeeze %dma_wait3A_169 : memref<1x1x40x128xi32, #tpu.memory_space<hbm>> -> memref<40x128xi32, #tpu.memory_space<hbm>>
      tpu.wait_dma2 semaphore(%run_scoped3A_154 : memref<!tpu.dma_semaphore, #tpu.memory_space<semaphore_mem>>) src(%dma_wait3A_170 : memref<40x128xi32, #tpu.memory_space<hbm>>) dst(%arg7 : memref<40x128xi32, #tpu.memory_space<vmem>>)
      tpu.yield
    }) : () -> ()
    %dma_start3A_91 = arith.constant 0 : i32
    %dma_start3A_92 = arith.constant 0 : i32
    %dma_start3A_93 = arith.constant 0 : i32
    %dma_start3A_94 = arith.constant 0 : i32
    %dma_start3A_95 = tpu.memref_slice %arg8[%dma_start3A_92, %dma_start3A_93, %dma_start3A_94] : memref<2x128x128xf32, #tpu.memory_space<vmem>> -> memref<1x128x128xf32, #tpu.memory_space<vmem>>
    %dma_start3A_96 = tpu.memref_squeeze %dma_start3A_95 : memref<1x128x128xf32, #tpu.memory_space<vmem>> -> memref<128x128xf32, #tpu.memory_space<vmem>>
    %dma_start3A_97 = arith.constant 0 : i32
    %dma_start3A_98 = tpu.memref_slice %arg6[%dma_start3A_91, %dma_start3A_97] : memref<40x128xi32, #tpu.memory_space<vmem>> -> memref<1x128xi32, #tpu.memory_space<vmem>>
    %dma_start3A_99 = tpu.memref_squeeze %dma_start3A_98 : memref<1x128xi32, #tpu.memory_space<vmem>> -> memref<128xi32, #tpu.memory_space<vmem>>
    %dma_start3A_100 = arith.constant 0 : i32
    %dma_start3A_101 = arith.constant 0 : i32
    %dma_start3A_102 = tpu.memref_slice %arg2[%dma_start3A_100, %dma_start3A_101] : memref<270000x128xf32, #tpu.memory_space<hbm>> -> memref<270000x128xf32, #tpu.memory_space<hbm>>
    tpu.enqueue_indirect_dma source(%dma_start3A_102 : memref<270000x128xf32, #tpu.memory_space<hbm>>) target(%dma_start3A_96 : memref<128x128xf32, #tpu.memory_space<vmem>>) offsets(%dma_start3A_99 : memref<128xi32, #tpu.memory_space<vmem>>) semaphore(%arg10 : memref<!tpu.dma_semaphore, #tpu.memory_space<semaphore_mem>>)
    %dma_start3A_103 = arith.constant 1 : i32
    %dma_start3A_104 = arith.constant 1 : i32
    %dma_start3A_105 = arith.constant 0 : i32
    %dma_start3A_106 = arith.constant 0 : i32
    %dma_start3A_107 = tpu.memref_slice %arg8[%dma_start3A_104, %dma_start3A_105, %dma_start3A_106] : memref<2x128x128xf32, #tpu.memory_space<vmem>> -> memref<1x128x128xf32, #tpu.memory_space<vmem>>
    %dma_start3A_108 = tpu.memref_squeeze %dma_start3A_107 : memref<1x128x128xf32, #tpu.memory_space<vmem>> -> memref<128x128xf32, #tpu.memory_space<vmem>>
    %dma_start3A_109 = arith.constant 0 : i32
    %dma_start3A_110 = tpu.memref_slice %arg6[%dma_start3A_103, %dma_start3A_109] : memref<40x128xi32, #tpu.memory_space<vmem>> -> memref<1x128xi32, #tpu.memory_space<vmem>>
    %dma_start3A_111 = tpu.memref_squeeze %dma_start3A_110 : memref<1x128xi32, #tpu.memory_space<vmem>> -> memref<128xi32, #tpu.memory_space<vmem>>
    %dma_start3A_112 = arith.constant 0 : i32
    %dma_start3A_113 = arith.constant 0 : i32
    %dma_start3A_114 = tpu.memref_slice %arg2[%dma_start3A_112, %dma_start3A_113] : memref<270000x128xf32, #tpu.memory_space<hbm>> -> memref<270000x128xf32, #tpu.memory_space<hbm>>
    tpu.enqueue_indirect_dma source(%dma_start3A_114 : memref<270000x128xf32, #tpu.memory_space<hbm>>) target(%dma_start3A_108 : memref<128x128xf32, #tpu.memory_space<vmem>>) offsets(%dma_start3A_111 : memref<128xi32, #tpu.memory_space<vmem>>) semaphore(%arg11 : memref<!tpu.dma_semaphore, #tpu.memory_space<semaphore_mem>>)
    %scan3A_115 = arith.constant 0 : i32
    %scan3A_116 = arith.constant 0 : i32
    %scan3A_117 = arith.constant 19 : i32
    %scan3A_118 = arith.addi %scan3A_116, %scan3A_117 : i32
    %scan3A_119 = arith.constant 1 : i32
    scf.for %scan3A_154 = %scan3A_116 to %scan3A_118 step %scan3A_119  : i32 {
      %mul3A_155 = arith.constant 2 : i32
      %mul3A_156 = arith.muli %scan3A_154, %mul3A_155 : i32
      %dma_wait3A_157 = arith.constant 0 : i32
      %dma_wait3A_158 = arith.constant 0 : i32
      %dma_wait3A_159 = arith.constant 0 : i32
      %dma_wait3A_160 = tpu.memref_slice %arg8[%dma_wait3A_157, %dma_wait3A_158, %dma_wait3A_159] : memref<2x128x128xf32, #tpu.memory_space<vmem>> -> memref<1x128x128xf32, #tpu.memory_space<vmem>>
      %dma_wait3A_161 = tpu.memref_squeeze %dma_wait3A_160 : memref<1x128x128xf32, #tpu.memory_space<vmem>> -> memref<128x128xf32, #tpu.memory_space<vmem>>
      %dma_wait3A_162 = arith.constant 0 : i32
      %dma_wait3A_163 = tpu.memref_slice %arg6[%mul3A_156, %dma_wait3A_162] : memref<40x128xi32, #tpu.memory_space<vmem>> -> memref<1x128xi32, #tpu.memory_space<vmem>>
      %dma_wait3A_164 = tpu.memref_squeeze %dma_wait3A_163 : memref<1x128xi32, #tpu.memory_space<vmem>> -> memref<128xi32, #tpu.memory_space<vmem>>
      %dma_wait3A_165 = arith.constant 0 : i32
      %dma_wait3A_166 = arith.constant 0 : i32
      %dma_wait3A_167 = tpu.memref_slice %arg2[%dma_wait3A_165, %dma_wait3A_166] : memref<270000x128xf32, #tpu.memory_space<hbm>> -> memref<270000x128xf32, #tpu.memory_space<hbm>>
      tpu.wait_indirect_dma semaphore(%arg10 : memref<!tpu.dma_semaphore, #tpu.memory_space<semaphore_mem>>) src(%dma_wait3A_167 : memref<270000x128xf32, #tpu.memory_space<hbm>>) dst(%dma_wait3A_161 : memref<128x128xf32, #tpu.memory_space<vmem>>)
      %run_scoped3A_168 = arith.constant 0 : i32
      "tpu.region"() ({
        %run_scoped3A_211 = tpu.sem_alloc : memref<!tpu.dma_semaphore, #tpu.memory_space<semaphore_mem>>
        %dma_start3A_212 = arith.constant 0 : i32
        %dma_start3A_213 = arith.constant 0 : i32
        %dma_start3A_214 = tpu.memref_slice %arg8[%run_scoped3A_168, %dma_start3A_212, %dma_start3A_213] : memref<2x128x128xf32, #tpu.memory_space<vmem>> -> memref<1x128x128xf32, #tpu.memory_space<vmem>>
        %dma_start3A_215 = tpu.memref_squeeze %dma_start3A_214 : memref<1x128x128xf32, #tpu.memory_space<vmem>> -> memref<128x128xf32, #tpu.memory_space<vmem>>
        %dma_start3A_216 = arith.constant 0 : i32
        %dma_start3A_217 = tpu.memref_slice %arg7[%mul3A_156, %dma_start3A_216] : memref<40x128xi32, #tpu.memory_space<vmem>> -> memref<1x128xi32, #tpu.memory_space<vmem>>
        %dma_start3A_218 = tpu.memref_squeeze %dma_start3A_217 : memref<1x128xi32, #tpu.memory_space<vmem>> -> memref<128xi32, #tpu.memory_space<vmem>>
        %dma_start3A_219 = arith.constant 0 : i32
        %dma_start3A_220 = arith.constant 0 : i32
        %dma_start3A_221 = tpu.memref_slice %arg9[%dma_start3A_219, %dma_start3A_220] : memref<10112x128xf32, #tpu.memory_space<vmem_shared>> -> memref<10112x128xf32, #tpu.memory_space<vmem_shared>>
        tpu.enqueue_indirect_dma source(%dma_start3A_215 : memref<128x128xf32, #tpu.memory_space<vmem>>) target(%dma_start3A_221 : memref<10112x128xf32, #tpu.memory_space<vmem_shared>>) offsets(%dma_start3A_218 : memref<128xi32, #tpu.memory_space<vmem>>) semaphore(%run_scoped3A_211 : memref<!tpu.dma_semaphore, #tpu.memory_space<semaphore_mem>>) {add = true}
        %dma_wait3A_222 = arith.constant 0 : i32
        %dma_wait3A_223 = arith.constant 0 : i32
        %dma_wait3A_224 = tpu.memref_slice %arg8[%run_scoped3A_168, %dma_wait3A_222, %dma_wait3A_223] : memref<2x128x128xf32, #tpu.memory_space<vmem>> -> memref<1x128x128xf32, #tpu.memory_space<vmem>>
        %dma_wait3A_225 = tpu.memref_squeeze %dma_wait3A_224 : memref<1x128x128xf32, #tpu.memory_space<vmem>> -> memref<128x128xf32, #tpu.memory_space<vmem>>
        %dma_wait3A_226 = arith.constant 0 : i32
        %dma_wait3A_227 = tpu.memref_slice %arg7[%mul3A_156, %dma_wait3A_226] : memref<40x128xi32, #tpu.memory_space<vmem>> -> memref<1x128xi32, #tpu.memory_space<vmem>>
        %dma_wait3A_228 = tpu.memref_squeeze %dma_wait3A_227 : memref<1x128xi32, #tpu.memory_space<vmem>> -> memref<128xi32, #tpu.memory_space<vmem>>
        %dma_wait3A_229 = arith.constant 0 : i32
        %dma_wait3A_230 = arith.constant 0 : i32
        %dma_wait3A_231 = tpu.memref_slice %arg9[%dma_wait3A_229, %dma_wait3A_230] : memref<10112x128xf32, #tpu.memory_space<vmem_shared>> -> memref<10112x128xf32, #tpu.memory_space<vmem_shared>>
        tpu.wait_indirect_dma semaphore(%run_scoped3A_211 : memref<!tpu.dma_semaphore, #tpu.memory_space<semaphore_mem>>) src(%dma_wait3A_225 : memref<128x128xf32, #tpu.memory_space<vmem>>) dst(%dma_wait3A_231 : memref<10112x128xf32, #tpu.memory_space<vmem_shared>>)
        tpu.yield
      }) : () -> ()
      %add3A_169 = arith.constant 2 : i32
      %add3A_170 = arith.addi %mul3A_156, %add3A_169 : i32
      %dma_start3A_171 = arith.constant 0 : i32
      %dma_start3A_172 = arith.constant 0 : i32
      %dma_start3A_173 = arith.constant 0 : i32
      %dma_start3A_174 = tpu.memref_slice %arg8[%dma_start3A_171, %dma_start3A_172, %dma_start3A_173] : memref<2x128x128xf32, #tpu.memory_space<vmem>> -> memref<1x128x128xf32, #tpu.memory_space<vmem>>
      %dma_start3A_175 = tpu.memref_squeeze %dma_start3A_174 : memref<1x128x128xf32, #tpu.memory_space<vmem>> -> memref<128x128xf32, #tpu.memory_space<vmem>>
      %dma_start3A_176 = arith.constant 0 : i32
      %dma_start3A_177 = tpu.memref_slice %arg6[%add3A_170, %dma_start3A_176] : memref<40x128xi32, #tpu.memory_space<vmem>> -> memref<1x128xi32, #tpu.memory_space<vmem>>
      %dma_start3A_178 = tpu.memref_squeeze %dma_start3A_177 : memref<1x128xi32, #tpu.memory_space<vmem>> -> memref<128xi32, #tpu.memory_space<vmem>>
      %dma_start3A_179 = arith.constant 0 : i32
      %dma_start3A_180 = arith.constant 0 : i32
      %dma_start3A_181 = tpu.memref_slice %arg2[%dma_start3A_179, %dma_start3A_180] : memref<270000x128xf32, #tpu.memory_space<hbm>> -> memref<270000x128xf32, #tpu.memory_space<hbm>>
      tpu.enqueue_indirect_dma source(%dma_start3A_181 : memref<270000x128xf32, #tpu.memory_space<hbm>>) target(%dma_start3A_175 : memref<128x128xf32, #tpu.memory_space<vmem>>) offsets(%dma_start3A_178 : memref<128xi32, #tpu.memory_space<vmem>>) semaphore(%arg10 : memref<!tpu.dma_semaphore, #tpu.memory_space<semaphore_mem>>)
      %add3A_182 = arith.constant 1 : i32
      %add3A_183 = arith.addi %mul3A_156, %add3A_182 : i32
      %dma_wait3A_184 = arith.constant 1 : i32
      %dma_wait3A_185 = arith.constant 0 : i32
      %dma_wait3A_186 = arith.constant 0 : i32
      %dma_wait3A_187 = tpu.memref_slice %arg8[%dma_wait3A_184, %dma_wait3A_185, %dma_wait3A_186] : memref<2x128x128xf32, #tpu.memory_space<vmem>> -> memref<1x128x128xf32, #tpu.memory_space<vmem>>
      %dma_wait3A_188 = tpu.memref_squeeze %dma_wait3A_187 : memref<1x128x128xf32, #tpu.memory_space<vmem>> -> memref<128x128xf32, #tpu.memory_space<vmem>>
      %dma_wait3A_189 = arith.constant 0 : i32
      %dma_wait3A_190 = tpu.memref_slice %arg6[%add3A_183, %dma_wait3A_189] : memref<40x128xi32, #tpu.memory_space<vmem>> -> memref<1x128xi32, #tpu.memory_space<vmem>>
      %dma_wait3A_191 = tpu.memref_squeeze %dma_wait3A_190 : memref<1x128xi32, #tpu.memory_space<vmem>> -> memref<128xi32, #tpu.memory_space<vmem>>
      %dma_wait3A_192 = arith.constant 0 : i32
      %dma_wait3A_193 = arith.constant 0 : i32
      %dma_wait3A_194 = tpu.memref_slice %arg2[%dma_wait3A_192, %dma_wait3A_193] : memref<270000x128xf32, #tpu.memory_space<hbm>> -> memref<270000x128xf32, #tpu.memory_space<hbm>>
      tpu.wait_indirect_dma semaphore(%arg11 : memref<!tpu.dma_semaphore, #tpu.memory_space<semaphore_mem>>) src(%dma_wait3A_194 : memref<270000x128xf32, #tpu.memory_space<hbm>>) dst(%dma_wait3A_188 : memref<128x128xf32, #tpu.memory_space<vmem>>)
      %add3A_195 = arith.constant 1 : i32
      %add3A_196 = arith.addi %mul3A_156, %add3A_195 : i32
      %run_scoped3A_197 = arith.constant 1 : i32
      "tpu.region"() ({
        %run_scoped3A_211 = tpu.sem_alloc : memref<!tpu.dma_semaphore, #tpu.memory_space<semaphore_mem>>
        %dma_start3A_212 = arith.constant 0 : i32
        %dma_start3A_213 = arith.constant 0 : i32
        %dma_start3A_214 = tpu.memref_slice %arg8[%run_scoped3A_197, %dma_start3A_212, %dma_start3A_213] : memref<2x128x128xf32, #tpu.memory_space<vmem>> -> memref<1x128x128xf32, #tpu.memory_space<vmem>>
        %dma_start3A_215 = tpu.memref_squeeze %dma_start3A_214 : memref<1x128x128xf32, #tpu.memory_space<vmem>> -> memref<128x128xf32, #tpu.memory_space<vmem>>
        %dma_start3A_216 = arith.constant 0 : i32
        %dma_start3A_217 = tpu.memref_slice %arg7[%add3A_196, %dma_start3A_216] : memref<40x128xi32, #tpu.memory_space<vmem>> -> memref<1x128xi32, #tpu.memory_space<vmem>>
        %dma_start3A_218 = tpu.memref_squeeze %dma_start3A_217 : memref<1x128xi32, #tpu.memory_space<vmem>> -> memref<128xi32, #tpu.memory_space<vmem>>
        %dma_start3A_219 = arith.constant 0 : i32
        %dma_start3A_220 = arith.constant 0 : i32
        %dma_start3A_221 = tpu.memref_slice %arg9[%dma_start3A_219, %dma_start3A_220] : memref<10112x128xf32, #tpu.memory_space<vmem_shared>> -> memref<10112x128xf32, #tpu.memory_space<vmem_shared>>
        tpu.enqueue_indirect_dma source(%dma_start3A_215 : memref<128x128xf32, #tpu.memory_space<vmem>>) target(%dma_start3A_221 : memref<10112x128xf32, #tpu.memory_space<vmem_shared>>) offsets(%dma_start3A_218 : memref<128xi32, #tpu.memory_space<vmem>>) semaphore(%run_scoped3A_211 : memref<!tpu.dma_semaphore, #tpu.memory_space<semaphore_mem>>) {add = true}
        %dma_wait3A_222 = arith.constant 0 : i32
        %dma_wait3A_223 = arith.constant 0 : i32
        %dma_wait3A_224 = tpu.memref_slice %arg8[%run_scoped3A_197, %dma_wait3A_222, %dma_wait3A_223] : memref<2x128x128xf32, #tpu.memory_space<vmem>> -> memref<1x128x128xf32, #tpu.memory_space<vmem>>
        %dma_wait3A_225 = tpu.memref_squeeze %dma_wait3A_224 : memref<1x128x128xf32, #tpu.memory_space<vmem>> -> memref<128x128xf32, #tpu.memory_space<vmem>>
        %dma_wait3A_226 = arith.constant 0 : i32
        %dma_wait3A_227 = tpu.memref_slice %arg7[%add3A_196, %dma_wait3A_226] : memref<40x128xi32, #tpu.memory_space<vmem>> -> memref<1x128xi32, #tpu.memory_space<vmem>>
        %dma_wait3A_228 = tpu.memref_squeeze %dma_wait3A_227 : memref<1x128xi32, #tpu.memory_space<vmem>> -> memref<128xi32, #tpu.memory_space<vmem>>
        %dma_wait3A_229 = arith.constant 0 : i32
        %dma_wait3A_230 = arith.constant 0 : i32
        %dma_wait3A_231 = tpu.memref_slice %arg9[%dma_wait3A_229, %dma_wait3A_230] : memref<10112x128xf32, #tpu.memory_space<vmem_shared>> -> memref<10112x128xf32, #tpu.memory_space<vmem_shared>>
        tpu.wait_indirect_dma semaphore(%run_scoped3A_211 : memref<!tpu.dma_semaphore, #tpu.memory_space<semaphore_mem>>) src(%dma_wait3A_225 : memref<128x128xf32, #tpu.memory_space<vmem>>) dst(%dma_wait3A_231 : memref<10112x128xf32, #tpu.memory_space<vmem_shared>>)
        tpu.yield
      }) : () -> ()
      %add3A_198 = arith.constant 3 : i32
      %add3A_199 = arith.addi %mul3A_156, %add3A_198 : i32
      %dma_start3A_200 = arith.constant 1 : i32
      %dma_start3A_201 = arith.constant 0 : i32
      %dma_start3A_202 = arith.constant 0 : i32
      %dma_start3A_203 = tpu.memref_slice %arg8[%dma_start3A_200, %dma_start3A_201, %dma_start3A_202] : memref<2x128x128xf32, #tpu.memory_space<vmem>> -> memref<1x128x128xf32, #tpu.memory_space<vmem>>
      %dma_start3A_204 = tpu.memref_squeeze %dma_start3A_203 : memref<1x128x128xf32, #tpu.memory_space<vmem>> -> memref<128x128xf32, #tpu.memory_space<vmem>>
      %dma_start3A_205 = arith.constant 0 : i32
      %dma_start3A_206 = tpu.memref_slice %arg6[%add3A_199, %dma_start3A_205] : memref<40x128xi32, #tpu.memory_space<vmem>> -> memref<1x128xi32, #tpu.memory_space<vmem>>
      %dma_start3A_207 = tpu.memref_squeeze %dma_start3A_206 : memref<1x128xi32, #tpu.memory_space<vmem>> -> memref<128xi32, #tpu.memory_space<vmem>>
      %dma_start3A_208 = arith.constant 0 : i32
      %dma_start3A_209 = arith.constant 0 : i32
      %dma_start3A_210 = tpu.memref_slice %arg2[%dma_start3A_208, %dma_start3A_209] : memref<270000x128xf32, #tpu.memory_space<hbm>> -> memref<270000x128xf32, #tpu.memory_space<hbm>>
      tpu.enqueue_indirect_dma source(%dma_start3A_210 : memref<270000x128xf32, #tpu.memory_space<hbm>>) target(%dma_start3A_204 : memref<128x128xf32, #tpu.memory_space<vmem>>) offsets(%dma_start3A_207 : memref<128xi32, #tpu.memory_space<vmem>>) semaphore(%arg11 : memref<!tpu.dma_semaphore, #tpu.memory_space<semaphore_mem>>)
    }
    %scan3A_120 = arith.constant 19 : i32
    %dma_wait3A_121 = arith.constant 38 : i32
    %dma_wait3A_122 = arith.constant 0 : i32
    %dma_wait3A_123 = arith.constant 0 : i32
    %dma_wait3A_124 = arith.constant 0 : i32
    %dma_wait3A_125 = tpu.memref_slice %arg8[%dma_wait3A_122, %dma_wait3A_123, %dma_wait3A_124] : memref<2x128x128xf32, #tpu.memory_space<vmem>> -> memref<1x128x128xf32, #tpu.memory_space<vmem>>
    %dma_wait3A_126 = tpu.memref_squeeze %dma_wait3A_125 : memref<1x128x128xf32, #tpu.memory_space<vmem>> -> memref<128x128xf32, #tpu.memory_space<vmem>>
    %dma_wait3A_127 = arith.constant 0 : i32
    %dma_wait3A_128 = tpu.memref_slice %arg6[%dma_wait3A_121, %dma_wait3A_127] : memref<40x128xi32, #tpu.memory_space<vmem>> -> memref<1x128xi32, #tpu.memory_space<vmem>>
    %dma_wait3A_129 = tpu.memref_squeeze %dma_wait3A_128 : memref<1x128xi32, #tpu.memory_space<vmem>> -> memref<128xi32, #tpu.memory_space<vmem>>
    %dma_wait3A_130 = arith.constant 0 : i32
    %dma_wait3A_131 = arith.constant 0 : i32
    %dma_wait3A_132 = tpu.memref_slice %arg2[%dma_wait3A_130, %dma_wait3A_131] : memref<270000x128xf32, #tpu.memory_space<hbm>> -> memref<270000x128xf32, #tpu.memory_space<hbm>>
    tpu.wait_indirect_dma semaphore(%arg10 : memref<!tpu.dma_semaphore, #tpu.memory_space<semaphore_mem>>) src(%dma_wait3A_132 : memref<270000x128xf32, #tpu.memory_space<hbm>>) dst(%dma_wait3A_126 : memref<128x128xf32, #tpu.memory_space<vmem>>)
    %run_scoped3A_133 = arith.constant 0 : i32
    %run_scoped3A_134 = arith.constant 38 : i32
    "tpu.region"() ({
      %run_scoped3A_154 = tpu.sem_alloc : memref<!tpu.dma_semaphore, #tpu.memory_space<semaphore_mem>>
      %dma_start3A_155 = arith.constant 0 : i32
      %dma_start3A_156 = arith.constant 0 : i32
      %dma_start3A_157 = tpu.memref_slice %arg8[%run_scoped3A_133, %dma_start3A_155, %dma_start3A_156] : memref<2x128x128xf32, #tpu.memory_space<vmem>> -> memref<1x128x128xf32, #tpu.memory_space<vmem>>
      %dma_start3A_158 = tpu.memref_squeeze %dma_start3A_157 : memref<1x128x128xf32, #tpu.memory_space<vmem>> -> memref<128x128xf32, #tpu.memory_space<vmem>>
      %dma_start3A_159 = arith.constant 0 : i32
      %dma_start3A_160 = tpu.memref_slice %arg7[%run_scoped3A_134, %dma_start3A_159] : memref<40x128xi32, #tpu.memory_space<vmem>> -> memref<1x128xi32, #tpu.memory_space<vmem>>
      %dma_start3A_161 = tpu.memref_squeeze %dma_start3A_160 : memref<1x128xi32, #tpu.memory_space<vmem>> -> memref<128xi32, #tpu.memory_space<vmem>>
      %dma_start3A_162 = arith.constant 0 : i32
      %dma_start3A_163 = arith.constant 0 : i32
      %dma_start3A_164 = tpu.memref_slice %arg9[%dma_start3A_162, %dma_start3A_163] : memref<10112x128xf32, #tpu.memory_space<vmem_shared>> -> memref<10112x128xf32, #tpu.memory_space<vmem_shared>>
      tpu.enqueue_indirect_dma source(%dma_start3A_158 : memref<128x128xf32, #tpu.memory_space<vmem>>) target(%dma_start3A_164 : memref<10112x128xf32, #tpu.memory_space<vmem_shared>>) offsets(%dma_start3A_161 : memref<128xi32, #tpu.memory_space<vmem>>) semaphore(%run_scoped3A_154 : memref<!tpu.dma_semaphore, #tpu.memory_space<semaphore_mem>>) {add = true}
      %dma_wait3A_165 = arith.constant 0 : i32
      %dma_wait3A_166 = arith.constant 0 : i32
      %dma_wait3A_167 = tpu.memref_slice %arg8[%run_scoped3A_133, %dma_wait3A_165, %dma_wait3A_166] : memref<2x128x128xf32, #tpu.memory_space<vmem>> -> memref<1x128x128xf32, #tpu.memory_space<vmem>>
      %dma_wait3A_168 = tpu.memref_squeeze %dma_wait3A_167 : memref<1x128x128xf32, #tpu.memory_space<vmem>> -> memref<128x128xf32, #tpu.memory_space<vmem>>
      %dma_wait3A_169 = arith.constant 0 : i32
      %dma_wait3A_170 = tpu.memref_slice %arg7[%run_scoped3A_134, %dma_wait3A_169] : memref<40x128xi32, #tpu.memory_space<vmem>> -> memref<1x128xi32, #tpu.memory_space<vmem>>
      %dma_wait3A_171 = tpu.memref_squeeze %dma_wait3A_170 : memref<1x128xi32, #tpu.memory_space<vmem>> -> memref<128xi32, #tpu.memory_space<vmem>>
      %dma_wait3A_172 = arith.constant 0 : i32
      %dma_wait3A_173 = arith.constant 0 : i32
      %dma_wait3A_174 = tpu.memref_slice %arg9[%dma_wait3A_172, %dma_wait3A_173] : memref<10112x128xf32, #tpu.memory_space<vmem_shared>> -> memref<10112x128xf32, #tpu.memory_space<vmem_shared>>
      tpu.wait_indirect_dma semaphore(%run_scoped3A_154 : memref<!tpu.dma_semaphore, #tpu.memory_space<semaphore_mem>>) src(%dma_wait3A_168 : memref<128x128xf32, #tpu.memory_space<vmem>>) dst(%dma_wait3A_174 : memref<10112x128xf32, #tpu.memory_space<vmem_shared>>)
      tpu.yield
    }) : () -> ()
    %dma_wait3A_135 = arith.constant 39 : i32
    %dma_wait3A_136 = arith.constant 1 : i32
    %dma_wait3A_137 = arith.constant 0 : i32
    %dma_wait3A_138 = arith.constant 0 : i32
    %dma_wait3A_139 = tpu.memref_slice %arg8[%dma_wait3A_136, %dma_wait3A_137, %dma_wait3A_138] : memref<2x128x128xf32, #tpu.memory_space<vmem>> -> memref<1x128x128xf32, #tpu.memory_space<vmem>>
    %dma_wait3A_140 = tpu.memref_squeeze %dma_wait3A_139 : memref<1x128x128xf32, #tpu.memory_space<vmem>> -> memref<128x128xf32, #tpu.memory_space<vmem>>
    %dma_wait3A_141 = arith.constant 0 : i32
    %dma_wait3A_142 = tpu.memref_slice %arg6[%dma_wait3A_135, %dma_wait3A_141] : memref<40x128xi32, #tpu.memory_space<vmem>> -> memref<1x128xi32, #tpu.memory_space<vmem>>
    %dma_wait3A_143 = tpu.memref_squeeze %dma_wait3A_142 : memref<1x128xi32, #tpu.memory_space<vmem>> -> memref<128xi32, #tpu.memory_space<vmem>>
    %dma_wait3A_144 = arith.constant 0 : i32
    %dma_wait3A_145 = arith.constant 0 : i32
    %dma_wait3A_146 = tpu.memref_slice %arg2[%dma_wait3A_144, %dma_wait3A_145] : memref<270000x128xf32, #tpu.memory_space<hbm>> -> memref<270000x128xf32, #tpu.memory_space<hbm>>
    tpu.wait_indirect_dma semaphore(%arg11 : memref<!tpu.dma_semaphore, #tpu.memory_space<semaphore_mem>>) src(%dma_wait3A_146 : memref<270000x128xf32, #tpu.memory_space<hbm>>) dst(%dma_wait3A_140 : memref<128x128xf32, #tpu.memory_space<vmem>>)
    %run_scoped3A_147 = arith.constant 1 : i32
    %run_scoped3A_148 = arith.constant 39 : i32
    "tpu.region"() ({
      %run_scoped3A_154 = tpu.sem_alloc : memref<!tpu.dma_semaphore, #tpu.memory_space<semaphore_mem>>
      %dma_start3A_155 = arith.constant 0 : i32
      %dma_start3A_156 = arith.constant 0 : i32
      %dma_start3A_157 = tpu.memref_slice %arg8[%run_scoped3A_147, %dma_start3A_155, %dma_start3A_156] : memref<2x128x128xf32, #tpu.memory_space<vmem>> -> memref<1x128x128xf32, #tpu.memory_space<vmem>>
      %dma_start3A_158 = tpu.memref_squeeze %dma_start3A_157 : memref<1x128x128xf32, #tpu.memory_space<vmem>> -> memref<128x128xf32, #tpu.memory_space<vmem>>
      %dma_start3A_159 = arith.constant 0 : i32
      %dma_start3A_160 = tpu.memref_slice %arg7[%run_scoped3A_148, %dma_start3A_159] : memref<40x128xi32, #tpu.memory_space<vmem>> -> memref<1x128xi32, #tpu.memory_space<vmem>>
      %dma_start3A_161 = tpu.memref_squeeze %dma_start3A_160 : memref<1x128xi32, #tpu.memory_space<vmem>> -> memref<128xi32, #tpu.memory_space<vmem>>
      %dma_start3A_162 = arith.constant 0 : i32
      %dma_start3A_163 = arith.constant 0 : i32
      %dma_start3A_164 = tpu.memref_slice %arg9[%dma_start3A_162, %dma_start3A_163] : memref<10112x128xf32, #tpu.memory_space<vmem_shared>> -> memref<10112x128xf32, #tpu.memory_space<vmem_shared>>
      tpu.enqueue_indirect_dma source(%dma_start3A_158 : memref<128x128xf32, #tpu.memory_space<vmem>>) target(%dma_start3A_164 : memref<10112x128xf32, #tpu.memory_space<vmem_shared>>) offsets(%dma_start3A_161 : memref<128xi32, #tpu.memory_space<vmem>>) semaphore(%run_scoped3A_154 : memref<!tpu.dma_semaphore, #tpu.memory_space<semaphore_mem>>) {add = true}
      %dma_wait3A_165 = arith.constant 0 : i32
      %dma_wait3A_166 = arith.constant 0 : i32
      %dma_wait3A_167 = tpu.memref_slice %arg8[%run_scoped3A_147, %dma_wait3A_165, %dma_wait3A_166] : memref<2x128x128xf32, #tpu.memory_space<vmem>> -> memref<1x128x128xf32, #tpu.memory_space<vmem>>
      %dma_wait3A_168 = tpu.memref_squeeze %dma_wait3A_167 : memref<1x128x128xf32, #tpu.memory_space<vmem>> -> memref<128x128xf32, #tpu.memory_space<vmem>>
      %dma_wait3A_169 = arith.constant 0 : i32
      %dma_wait3A_170 = tpu.memref_slice %arg7[%run_scoped3A_148, %dma_wait3A_169] : memref<40x128xi32, #tpu.memory_space<vmem>> -> memref<1x128xi32, #tpu.memory_space<vmem>>
      %dma_wait3A_171 = tpu.memref_squeeze %dma_wait3A_170 : memref<1x128xi32, #tpu.memory_space<vmem>> -> memref<128xi32, #tpu.memory_space<vmem>>
      %dma_wait3A_172 = arith.constant 0 : i32
      %dma_wait3A_173 = arith.constant 0 : i32
      %dma_wait3A_174 = tpu.memref_slice %arg9[%dma_wait3A_172, %dma_wait3A_173] : memref<10112x128xf32, #tpu.memory_space<vmem_shared>> -> memref<10112x128xf32, #tpu.memory_space<vmem_shared>>
      tpu.wait_indirect_dma semaphore(%run_scoped3A_154 : memref<!tpu.dma_semaphore, #tpu.memory_space<semaphore_mem>>) src(%dma_wait3A_168 : memref<128x128xf32, #tpu.memory_space<vmem>>) dst(%dma_wait3A_174 : memref<10112x128xf32, #tpu.memory_space<vmem_shared>>)
      tpu.yield
    }) : () -> ()
    %barrier3A_149 = arith.constant 0 : index
    tpu.barrier barrier_id(%barrier3A_149)
    %mul3A_150 = arith.constant 632 : i32
    %mul3A_151 = arith.muli %arg1, %mul3A_150 : i32
    %mul3A_152 = arith.constant 632 : i32
    %mul3A_153 = arith.muli %arg1, %mul3A_152 : i32
    "tpu.region"() ({
      %run_scoped3A_154 = tpu.sem_alloc : memref<!tpu.dma_semaphore, #tpu.memory_space<semaphore_mem>>
      %dma_start3A_155 = arith.constant 0 : i32
      %dma_start3A_156 = tpu.memref_slice %arg5[%arg0, %mul3A_153, %dma_start3A_155] : memref<2x10112x128xf32, #tpu.memory_space<hbm>> -> memref<1x632x128xf32, #tpu.memory_space<hbm>>
      %dma_start3A_157 = tpu.memref_squeeze %dma_start3A_156 : memref<1x632x128xf32, #tpu.memory_space<hbm>> -> memref<632x128xf32, #tpu.memory_space<hbm>>
      %dma_start3A_158 = arith.constant 0 : i32
      %dma_start3A_159 = tpu.memref_slice %arg9[%mul3A_151, %dma_start3A_158] : memref<10112x128xf32, #tpu.memory_space<vmem_shared>> -> memref<632x128xf32, #tpu.memory_space<vmem_shared>>
      tpu.enqueue_dma source(%dma_start3A_159 : memref<632x128xf32, #tpu.memory_space<vmem_shared>>) target(%dma_start3A_157 : memref<632x128xf32, #tpu.memory_space<hbm>>) target_semaphore(%run_scoped3A_154 : memref<!tpu.dma_semaphore, #tpu.memory_space<semaphore_mem>>)
      %dma_wait3A_160 = arith.constant 0 : i32
      %dma_wait3A_161 = tpu.memref_slice %arg5[%arg0, %mul3A_153, %dma_wait3A_160] : memref<2x10112x128xf32, #tpu.memory_space<hbm>> -> memref<1x632x128xf32, #tpu.memory_space<hbm>>
      %dma_wait3A_162 = tpu.memref_squeeze %dma_wait3A_161 : memref<1x632x128xf32, #tpu.memory_space<hbm>> -> memref<632x128xf32, #tpu.memory_space<hbm>>
      %dma_wait3A_163 = arith.constant 0 : i32
      %dma_wait3A_164 = tpu.memref_slice %arg9[%mul3A_151, %dma_wait3A_163] : memref<10112x128xf32, #tpu.memory_space<vmem_shared>> -> memref<632x128xf32, #tpu.memory_space<vmem_shared>>
      tpu.wait_dma2 semaphore(%run_scoped3A_154 : memref<!tpu.dma_semaphore, #tpu.memory_space<semaphore_mem>>) src(%dma_wait3A_164 : memref<632x128xf32, #tpu.memory_space<vmem_shared>>) dst(%dma_wait3A_162 : memref<632x128xf32, #tpu.memory_space<hbm>>)
      tpu.yield
    }) : () -> ()
    return
  }
}

module attributes {stable_mosaic.version = 14 : i64} {
  func.func @_matmul_body(%arg0: i32, %arg1: memref<10000x128xf32, #tpu.memory_space<vmem>>, %arg2: memref<1x128x128xf32, #tpu.memory_space<vmem>>, %arg3: memref<10000x128xf32, #tpu.memory_space<vmem>>) attributes {dimension_semantics = [#tpu.dimension_semantics<arbitrary>], iteration_bounds = array<i64: 27>, scalar_prefetch = 0 : i64, scratch_operands = 0 : i64, tpu.core_type = #tpu.core_type<tc>, window_params = [{pipeline_mode = #tpu.pipeline_mode<synchronous>, transform_indices = @transform_0, window_bounds = array<i64: 10000, 128>}, {transform_indices = @transform_1, window_bounds = array<i64: 1, 128, 128>}, {transform_indices = @transform_2, window_bounds = array<i64: 10000, 128>}]} {
    %get3A = arith.constant 0 : index
    %get3A_0 = arith.constant 0 : index
    %get3A_1 = vector.load %arg1[%get3A, %get3A_0] : memref<10000x128xf32, #tpu.memory_space<vmem>>, vector<10000x128xf32>
    %get3A_2 = arith.constant 0 : index
    %get3A_3 = arith.constant 0 : index
    %get3A_4 = arith.constant 0 : index
    %get3A_5 = vector.load %arg2[%get3A_2, %get3A_3, %get3A_4] : memref<1x128x128xf32, #tpu.memory_space<vmem>>, vector<1x128x128xf32>
    %get3A_6 = vector.shape_cast %get3A_5 : vector<1x128x128xf32> to vector<128x128xf32>
    %dot_general3A = arith.constant dense<0.000000e+00> : vector<10000x128xf32>
    %dot_general3A_7 = tpu.matmul %get3A_1, %get3A_6, %dot_general3A {dimension_numbers = #tpu.dot_dimension_numbers<[1], [0], [0], [1], [0, 0, 1, 1], [], []>, transpose_lhs_hint = false} : vector<10000x128xf32>, vector<128x128xf32>, vector<10000x128xf32> -> vector<10000x128xf32>
    %swap3A = arith.constant 0 : index
    %swap3A_8 = arith.constant 0 : index
    %swap3A_9 = vector.load %arg3[%swap3A, %swap3A_8] : memref<10000x128xf32, #tpu.memory_space<vmem>>, vector<10000x128xf32>
    tpu.vector_store %arg3[%swap3A, %swap3A_8], %dot_general3A_7 {strides = array<i32>} : memref<10000x128xf32, #tpu.memory_space<vmem>>, vector<10000x128xf32>,
    return
  }
  func.func @transform_0(%arg0: i32) -> (i32, i32) {
    %c0_i32 = arith.constant 0 : i32
    %c0_i32_0 = arith.constant 0 : i32
    %c0_i32_1 = arith.constant 0 : i32
    return %c0_i32, %c0_i32_0 : i32, i32
  }
  func.func @transform_1(%arg0: i32) -> (i32, i32, i32) {
    %c0_i32 = arith.constant 0 : i32
    %c0_i32_0 = arith.constant 0 : i32
    %c0_i32_1 = arith.constant 0 : i32
    return %arg0, %c0_i32, %c0_i32_0 : i32, i32, i32
  }
  func.func @transform_2(%arg0: i32) -> (i32, i32) {
    %c0_i32 = arith.constant 0 : i32
    %c0_i32_0 = arith.constant 0 : i32
    return %arg0, %c0_i32 : i32, i32
  }
}

module attributes {stable_mosaic.version = 14 : i64} {
  func.func @_add_body(%arg0: i32, %arg1: memref<2x1000x128xf32, #tpu.memory_space<vmem>>, %arg2: memref<1000x128xf32, #tpu.memory_space<vmem>>) attributes {dimension_semantics = [#tpu.dimension_semantics<arbitrary>], iteration_bounds = array<i64: 10>, scalar_prefetch = 0 : i64, scratch_operands = 0 : i64, tpu.core_type = #tpu.core_type<tc>, window_params = [{transform_indices = @transform_0, window_bounds = array<i64: 2, 1000, 128>}, {transform_indices = @transform_1, window_bounds = array<i64: 1000, 128>}]} {
    %get3A = arith.constant 0 : index
    %get3A_0 = arith.constant 0 : index
    %get3A_1 = arith.constant 0 : index
    %get3A_2 = vector.load %arg1[%get3A, %get3A_0, %get3A_1] : memref<2x1000x128xf32, #tpu.memory_space<vmem>>, vector<1x1000x128xf32>
    %get3A_3 = vector.shape_cast %get3A_2 : vector<1x1000x128xf32> to vector<1000x128xf32>
    %get3A_4 = arith.constant 1 : index
    %get3A_5 = arith.constant 0 : index
    %get3A_6 = arith.constant 0 : index
    %get3A_7 = vector.load %arg1[%get3A_4, %get3A_5, %get3A_6] : memref<2x1000x128xf32, #tpu.memory_space<vmem>>, vector<1x1000x128xf32>
    %get3A_8 = vector.shape_cast %get3A_7 : vector<1x1000x128xf32> to vector<1000x128xf32>
    %add3A = arith.addf %get3A_3, %get3A_8 : vector<1000x128xf32>
    %swap3A = arith.constant 0 : index
    %swap3A_9 = arith.constant 0 : index
    %swap3A_10 = vector.load %arg2[%swap3A, %swap3A_9] : memref<1000x128xf32, #tpu.memory_space<vmem>>, vector<1000x128xf32>
    tpu.vector_store %arg2[%swap3A, %swap3A_9], %add3A {strides = array<i32>} : memref<1000x128xf32, #tpu.memory_space<vmem>>, vector<1000x128xf32>,
    return
  }
  func.func @transform_0(%arg0: i32) -> (i32, i32, i32) {
    %c0_i32 = arith.constant 0 : i32
    %c0_i32_0 = arith.constant 0 : i32
    %c0_i32_1 = arith.constant 0 : i32
    return %c0_i32, %arg0, %c0_i32_0 : i32, i32, i32
  }
  func.func @transform_1(%arg0: i32) -> (i32, i32) {
    %c0_i32 = arith.constant 0 : i32
    %c0_i32_0 = arith.constant 0 : i32
    return %arg0, %c0_i32 : i32, i32
  }
}

</mosaic_0001>

<sc_bundles>
// kernel: kernel.6.cloned.1.call-start
scs
__scs_entry_jumppad:
0x0: {  	(pc) =	sbr.rel $0x88, $3  }
0x1: {  	(tag) =	ssettag $0x0;
	lr =	simm.s32 $0x1  }
0x2: {  	[smem:$0x3F9C] =	sst lr;
	_ =	strace $0xD0000000  }
0x3: {  	_ = 	snop  }
0x4: {  	_ = 	snop  }
0x5: {  	_ = 	snop  }
0x6: {  	_ = 	snop  }
0x7: {  	_ = 	snop  }
__scs_overlays_trampoline_lowered:
0x8: {  	[smem:$0x3FAB] =	sst s0  }
0x9: {  	[smem:$0x3FAC] =	sst s1  }
0xa: {  	[smem:$0x3FAD] =	sst s2  }
0xb: {  	[smem:$0x3FAE] =	sst s3  }
0xc: {  	[smem:$0x3FAF] =	sst s4  }
0xd: {  	[smem:$0x3FB0] =	sst s5  }
0xe: {  	[smem:$0x3FB1] =	sst s6  }
0xf: {  	[smem:$0x3FB2] =	sst s7  }
0x10: {  	[smem:$0x3FB3] =	sst s8  }
0x11: {  	[smem:$0x3FB4] =	sst s9;
	s0 =	simm.s32 @!p0 $0x0  }
0x12: {  	s1 =	sld [smem:$0x3F9A];
	s0 =	simm.s32 @p0 $0x1  }
0x13: {  	[smem:$0x3FB5] =	sst s0;
	s0 =	simm.s32 @!p1 $0x0  }
0x14: {  	s2 =	sld [smem:$0x3F99];
	s0 =	simm.s32 @p1 $0x1  }
0x15: {  	[smem:$0x3FB6] =	sst s0;
	s0 =	simm.s32 @!p2 $0x0  }
0x16: {  	s3 =	sld [smem:$0x3FDB];
	s0 =	simm.s32 @p2 $0x1  }
0x17: {  	s4 =	simm.s32 $0x1BF5;
	[smem:$0x3FB8] =	sst s0  }
0x18: {  	s0 =	sld [smem:$0x3F9B];
	_ =	swait.ge [sflag:s4], $0x0  }
0x19: {  	s7 =	sld [smem:$0x3F9C]  }
0x1a: {  	s8 =	sadd.s32 $0xFFFFE003, lr  }
0x1b: {  	s9 =	sadd.s32 $0xFFFFFEF7, lr;
	s5 =	simm.s32 $0xFFFFFFFF;
	p2 =	slt.u32 s8, $0xFFFFF086  }
0x1c: {  	p1 =	slt.u32 s9, $0xF7A;
	s5 =	simm.s32 @!p2 $0x0  }
0x1d: {  	s5 =	simm.s32 @p1 $0x1;
	p0 =	seq.s32 s7, s2  }
0x1e: {  	s7 =	smul.u32 @!p0 $0xF7A, s2;
	p2 =	seq.s32 @!p0 s5, $0x0  }
0x1f: {  	s9 =	smul.u32 $0xF7A, s1;
	s8 =	simm.s32 @!p0 $0x1BF5;
	p2 =	por !p2, p0  }
0x20: {  	[sflag:s8] =	ssyncset.s32 @!p0 $0xFFFFF086;
	s6 =	sadd.s32 @!p0 s3, s7;
	s7 =	simm.s32 @!p0 $0x108  }
0x21: {  	s3 =	sadd.s32 s3, s9;
	s6 =	sadd.s32 @!p0 $0x88, s6;
	s7 =	simm.s32 @p2 $0x1082  }
0x22: {  	[simem:s7], [sflag:s8] =	dma.local @!p0 [hbm:s6], $0xF7A  }
0x23: {  	s9 =	sor.u32 $0xD0000000, s2;
	s6 =	simm.s32 $0x108;
	_ =	swait.ge @!p0 [sflag:s8], $0x0  }
0x24: {  	s3 =	sadd.s32 $0x88, s3;
	s6 =	simm.s32 @!p1 $0x1082;
	[sflag:s4] =	ssyncset.s32 $0xFFFFF086  }
0x25: {  	[simem:s6], [sflag:s4] =	dma.local [hbm:s3], $0xF7A  }
0x26: {  	[smem:$0x3F9C] =	sst s1;
	(tag) =	ssettag s2;
	_ =	strace s9  }
0x27: {  	s1 =	sld [smem:$0x3FAC]  }
0x28: {  	s2 =	sld [smem:$0x3FAD]  }
0x29: {  	s4 =	sld [smem:$0x3FAF]  }
0x2a: {  	p0 =	seq.s32 s5, $0x0;
	s5 =	sld [smem:$0x3FB0]  }
0x2b: {  	s6 =	sld [smem:$0x3FB1]  }
0x2c: {  	s7 =	sld [smem:$0x3FB2]  }
0x2d: {  	s3 =	simm.s32 $0x108;
	s8 =	sld [smem:$0x3FB3]  }
0x2e: {  	s3 =	simm.s32 @!p0 $0x1082;
	s9 =	sld [smem:$0x3FB4]  }
0x2f: {  	lr =	sadd.s32 s0, s3;
	s0 =	sld [smem:$0x3FAB]  }
0x30: {  	s3 =	sld [smem:$0x3FAE]  }
0x31: {  	[smem:$0x3FB7] =	sst s10  }
0x32: {  	s10 =	sld [smem:$0x3FB5];
	_ =	sdelay $0x3  }
0x33: {  	p0 =	seq.s32 s10, $0x1;
	s10 =	sld [smem:$0x3FB7];
	_ =	sdelay $0x3  }
0x34: {  	[smem:$0x3FB7] =	sst s10  }
0x35: {  	s10 =	sld [smem:$0x3FB6];
	_ =	sdelay $0x3  }
0x36: {  	p1 =	seq.s32 s10, $0x1;
	s10 =	sld [smem:$0x3FB7];
	_ =	sdelay $0x3  }
0x37: {  	[smem:$0x3FB7] =	sst s10  }
0x38: {  	s10 =	sld [smem:$0x3FB8]  }
0x39: {  	_ = 	snop;
	(pc) =	sbr.ind lr, $3  }
0x3a: {  	_ = 	snop  }
0x3b: {  	_ = 	snop  }
0x3c: {  	p2 =	seq.s32 s10, $0x1;
	s10 =	sld [smem:$0x3FB7]  }
0x3d: {  	_ =	shalt  }
0x3e: {  	_ =	shalt  }
0x3f: {  	_ =	shalt  }
0x40: {  	_ =	shalt  }
0x41: {  	_ =	shalt  }
0x42: {  	_ =	shalt  }
0x43: {  	_ =	shalt  }
0x44: {  	_ =	shalt  }
0x45: {  	_ =	shalt  }
0x46: {  	_ =	shalt  }
0x47: {  	_ =	shalt  }
0x48: {  	_ =	shalt  }
0x49: {  	_ =	shalt  }
0x4a: {  	_ =	shalt  }
0x4b: {  	_ =	shalt  }
0x4c: {  	_ =	shalt  }
0x4d: {  	_ =	shalt  }
0x4e: {  	_ =	shalt  }
0x4f: {  	_ =	shalt  }
0x50: {  	_ =	shalt  }
0x51: {  	_ =	shalt  }
0x52: {  	_ =	shalt  }
0x53: {  	_ =	shalt  }
0x54: {  	_ =	shalt  }
0x55: {  	_ =	shalt  }
0x56: {  	_ =	shalt  }
0x57: {  	_ =	shalt  }
0x58: {  	_ =	shalt  }
0x59: {  	_ =	shalt  }
0x5a: {  	_ =	shalt  }
0x5b: {  	_ =	shalt  }
0x5c: {  	_ =	shalt  }
0x5d: {  	_ =	shalt  }
0x5e: {  	_ =	shalt  }
0x5f: {  	_ =	shalt  }
0x60: {  	_ =	shalt  }
0x61: {  	_ =	shalt  }
0x62: {  	_ =	shalt  }
0x63: {  	_ =	shalt  }
0x64: {  	_ =	shalt  }
0x65: {  	_ =	shalt  }
0x66: {  	_ =	shalt  }
0x67: {  	_ =	shalt  }
0x68: {  	_ =	shalt  }
0x69: {  	_ =	shalt  }
0x6a: {  	_ =	shalt  }
0x6b: {  	_ =	shalt  }
0x6c: {  	_ =	shalt  }
0x6d: {  	_ =	shalt  }
0x6e: {  	_ =	shalt  }
0x6f: {  	_ =	shalt  }
0x70: {  	_ =	shalt  }
0x71: {  	_ =	shalt  }
0x72: {  	_ =	shalt  }
0x73: {  	_ =	shalt  }
0x74: {  	_ =	shalt  }
0x75: {  	_ =	shalt  }
0x76: {  	_ =	shalt  }
0x77: {  	_ =	shalt  }
0x78: {  	_ =	shalt  }
0x79: {  	_ =	shalt  }
0x7a: {  	_ =	shalt  }
0x7b: {  	_ =	shalt  }
0x7c: {  	_ =	shalt  }
0x7d: {  	_ =	shalt  }
0x7e: {  	_ =	shalt  }
0x7f: {  	_ =	shalt  }
0x80: {  	_ =	shalt  }
0x81: {  	_ =	shalt  }
0x82: {  	_ =	shalt  }
0x83: {  	_ =	shalt  }
0x84: {  	_ =	shalt  }
0x85: {  	_ =	shalt  }
0x86: {  	_ =	shalt  }
0x87: {  	_ =	shalt  }
.Lfunc_end0:
.L_simem_size_0:
called_computation_lowered:
.L_overlay_start_0:
0x88: {  	s2 =	sld [smem:$0x3FD9]  }
0x89: {  	s3 =	sld [smem:$0x3FFE];
	_ =	sdelay $0x1  }
0x8a: {  	s1 =	srdreg.scid  }
0x8b: {  	s0 =	sand.u32 $0x1, s1  }
0x8c: {  	s14 =	sshll.u32 s0, $0xA;
	s2 =	sadd.s32 s3, s2  }
0x8d: {  	s2 =	sadd.s32 s2, s14  }
0x8e: {  	[smem:$0x3FC3] =	sst s2  }
0x8f: {  	_ = 	snop  }
0x90: {  	s2 =	sld [smem:$0x3FD0];
	_ =	sdelay $0x2  }
0x91: {  	s15 =	simm.s32 $0xA;
	s4 =	simm.s32 $0x10  }
0x92: {  	[smem:s4], [sflag:s15] =	dma.local [hbm:s2], $0x1  }
0x93: {  	_ =	swait.eq [sflag:s15], $0x1  }
0x94: {  	[sflag:s15] =	ssyncset.done $0x0  }
0x95: {  	[sflag:s15] =	ssyncadd.s32 $0xFFFFFFFF  }
0x96: {  	s16 =	sld [smem:$0x10];
	(tm) =	ssettm $0x1  }
0x97: {  	s17 =	sld [smem:$0x3FFB];
	_ =	sdelay $0x3  }
0x98: {  	_ =	strace s17  }
0x99: {  	s3 =	sld [smem:$0x3FFC];
	_ =	sdelay $0x3  }
0x9a: {  	_ =	strace s3  }
0x9b: {  	s3 =	sld [smem:$0x3FFD];
	_ =	sdelay $0x3  }
0x9c: {  	_ =	strace s3  }
0x9d: {  	_ =	strace $0x8FFFFFFF  }
0x9e: {  	s18 =	sld [smem:$0x3FDB];
	_ =	sdelay $0x1  }
0x9f: {  	s19 =	simm.s32 $_scs_section_size  }
0xa0: {  	s5 =	simm.s32 $_size__tile_overlayer_lowered;
	s6 =	simm.s32 $_tile_overlayer_lowered  }
0xa1: {  	s22 =	simm.s32 $0x1BFF;
	s21 =	sshll.u32 s6, $0x1;
	s3 =	sadd.s32 s19, s18  }
0xa2: {  	s7 =	simm.s32 $0x0;
	s20 =	sshll.u32 s5, $0x1;
	s5 =	sadd.s32 s21, s3  }
0xa3: {  	[timem:s7], [sflag:s22] =	dma.local [hbm:s5], s20  }
0xa4: {  	_ =	swait.ge [sflag:s22], s20  }
0xa5: {  	s4 =	ssub.s32 $0x0, s20;
	[sflag:s22] =	ssyncset.done $0x0  }
0xa6: {  	[sflag:s22] =	ssyncadd.s32 s4;
	_ =	sdelay $0x1  }
0xa7: {  	s23 =	simm.s32 $0x1B8B  }
0xa8: {  	_ =	swait.ge [sflag:s23], $0x1  }
0xa9: {  	[sflag:s23] =	ssyncset.done $0x0  }
0xaa: {  	s25 =	simm.s32 $0x1B8E;
	s24 =	sld [smem:$0x3FFE];
	[sflag:s23] =	ssyncadd.s32 $0xFFFFFFFF  }
0xab: {  	s26 =	simm.s32 $execute0_lowered;
	[smem:$0x3FD2] =	sst s25  }
0xac: {  	s5 =	sshll.u32 s26, $0x1;
	_ =	strace $0x80000046;
	[dreg:$0x1] =	wrdreg $0xFFFFFFFF  }
0xad: {  	s28 =	simm.s32 $_size_execute0_lowered;
	s3 =	sadd.s32 s3, s5;
	[dreg:$0x0] =	wrdreg $0x0  }
0xae: {  	s5 =	sshll.u32 s28, $0x1;
	[dreg:$0x2] =	wrdreg s3  }
0xaf: {  	[dreg:$0x3] =	wrdreg s5  }
0xb0: {  	[dreg:$0x4] =	wrdreg $0xC0  }
0xb1: {  	_ =	task [dreg:s7], $0x5FFFF  }
0xb2: {  	[dreg:$0x1] =	wrdreg $0xFFFFFFFF  }
0xb3: {  	[dreg:$0x0] =	wrdreg $0x60  }
0xb4: {  	[dreg:$0x2] =	wrdreg s24  }
0xb5: {  	[dreg:$0x3] =	wrdreg s16  }
0xb6: {  	[dreg:$0x4] =	wrdreg $0xA8000  }
0xb7: {  	[dreg:$0x5] =	wrdreg $0x9  }
0xb8: {  	_ =	task.clear_ibuf [dreg:s7], $0x6FFFF;
	_ =	strace $0x90000046  }
0xb9: {  	s29 =	simm.s32 $0x9;
	_ =	strace $0x80000048  }
0xba: {  	_ =	swait.ge [sflag:s29], $0x1  }
0xbb: {  	[sflag:s29] =	ssyncadd.s32 $0xFFFFFFFF  }
0xbc: {  	_ =	strace $0x90000048  }
0xbd: {  	_ =	sfence  }
0xbe: {  	s30 =	sld [smem:$0x0];
	_ =	sdelay $0x2  }
0xbf: {  	s31 =	sshll.u32 s1, $0xD;
	s1 =	sshrl.u32 s1, $0x2  }
0xc0: {  	s3 =	sand.u32 $0x4000, s31;
	s1 =	sadd.s32 s1, s30  }
0xc1: {  	s0 =	sor.u32 s3, s0;
	s1 =	sshll.u32 s1, $0x11  }
0xc2: {  	s0 =	sor.u32 s1, s0  }
0xc3: {  	s0 =	sadd.s32 $0x8F2B, s0  }
0xc4: {  	[sflag:s0] =	ssyncadd.remote.s32 $0x1  }
0xc5: {  	_ =	sfence.sel $0xFFFF  }
0xc6: {  	[dreg:$0x0] =	wrdreg $0xFFFFFFFF;
	(pc) =	sbr.abs _section_cstart, $3  }
0xc7: {  	[dreg:$0x1] =	wrdreg $0xFFFFFFFF  }
0xc8: {  	_ =	task.clear_ibuf [dreg:s7], $0x2FFFF;
	_ =	strace $0x9FFFFFFF  }
0xc9: {  	(tm) =	ssettm $0x7FFFFFFF  }
tec
execute0_lowered:
.L_overlay_start_1:
0x0: {  	(tag) =	ssettag $0x1  }
0x1: {  	s5 =	rddreg [dreg:$0x0]  }
0x2: {  	s12 =	rddreg [dreg:$0x1]  }
0x3: {  	s1 =	rddreg [dreg:$0x2]  }
0x4: {  	s2 =	srdreg.scid;
	s0 =	rddreg [dreg:$0x3]  }
0x5: {  	s3 =	simm.s32 $0x0;
	s17 =	simm.s32 $0x1400;
	s18 =	simm.s32 $0x80  }
0x6: {  	s19 =	simm.s32 $0x2800;
	s20 =	simm.s32 $0x6800;
	s21 =	simm.s32 $0x1  }
0x7: {  	s22 =	simm.s32 $0x2;
	s23 =	simm.s32 $0x2700;
	s6 =	sand.u32 $0x1, s2  }
0x8: {  	s24 =	simm.s32 $0x2780;
	s2 =	stileid.u32;
	s7 =	smul.u32 $0x13C000, s6  }
0x9: {  	[smem:$0x7FF] =	sst s3;
	s13 =	sadd.s32 $0x41F800, s5;
	s8 =	smul.u32 $0x13C00, s2  }
0xa: {  	s4 =	sshll.u32 s6, $0x4;
	_ =	strace $0x80000047;
	s6 =	ssub.s32 $0x2, s6  }
0xb: {  	s29 =	smul.u32 $0x4F000, s2;
	s9 =	sor.u32 s2, s4;
	s4 =	sadd.s32 $0xC00, s5  }
0xc: {  	s30 =	sshrl.u32 s6, $0x1;
	s7 =	sadd.s32 s8, s7;
	s28 =	smul.u32 $0x2800, s9  }
0xd: {  	s15 =	ssub.s32 s6, s30;
	s31 =	sshrl.u32 s29, $0x2;
	s7 =	sshrl.u32 s7, $0x3  }
0xe: {  	s15 =	smax.u32 s15, $0x1;
	s14 =	sadd.s32 s7, s5;
	s10 =	sshrl.u32 s28, $0x3  }
0xf: {  	s7 =	sadd.s32 s31, s1;
	s5 =	sadd.s32 s12, s10;
	s6 =	sadd.s32 s13, s10  }
0x10: {  	s8 =	sadd.s32 $0x4000, s7;
	s9 =	sadd.s32 $0x8000, s7;
	s16 =	sadd.s32 $0x280, s10  }
0x11: {  	s10 =	sadd.s32 $0xC000, s7;
	s11 =	sadd.s32 $0x10000, s7;
	s14 =	sadd.s32 $0x429800, s14  }
0x12: {  	v0 =	vimm.f32 $0.0e+00;
	s12 =	sadd.s32 s12, s16;
	s13 =	sadd.s32 s13, s16;
	s16 =	simm.s32 $0x3  }
.LBB2_1:
0x13: {  	s25 =	simm.s32 $0x0;
	s26 =	simm.s32 $0x200  }
.LBB2_2:
0x14: {  	p0 =	sne.s32 s26, $0xFE00;
	[tilespmem:s25+$0x6870] =	vst v0  }
0x15: {  	[tilespmem:s25+$0x6800] =	vst v0  }
0x16: {  	[tilespmem:s25+$0x6810] =	vst v0  }
.Ltmp0:
0x17: {  	[tilespmem:s25+$0x6820] =	vst v0;
	(pc) =	sbr.rel @p0 .LBB2_2-.Ltmp0, $4  }
0x18: {  	[tilespmem:s25+$0x6830] =	vst v0  }
0x19: {  	[tilespmem:s25+$0x6840] =	vst v0  }
0x1a: {  	[tilespmem:s25+$0x6850] =	vst v0  }
0x1b: {  	[tilespmem:s25+$0x6860] =	vst v0;
	s25 =	sshra.s32 s26, $0x2;
	s26 =	sadd.s32 $0x200, s26  }
0x1c: {  	[tilespmem:s25+$0x6870] =	vst v0  }
0x1d: {  	[tilespmem:s25+$0x6800] =	vst v0  }
0x1e: {  	[tilespmem:s25+$0x6810] =	vst v0  }
0x1f: {  	[tilespmem:s25+$0x6820] =	vst v0  }
0x20: {  	[tilespmem:s25+$0x6830] =	vst v0  }
0x21: {  	[tilespmem:s25+$0x6840] =	vst v0  }
0x22: {  	[tilespmem:s25+$0x6850] =	vst v0  }
0x23: {  	[tilespmem:s25+$0x6860] =	vst v0;
	s28 =	simm.s32 $0x0  }
0x24: {  	[tilespmem:s28], [sflag:$0x3] =	stream.linear.gather [hbm4b:s5+s28], $0x1400, $0x38;
	[tilespmem:$0x1E400] =	vst v63  }
0x25: {  	_ =	swait.ge [sflag:s16], $0x1400  }
0x26: {  	[sflag:s16] =	ssyncset.done $0x0  }
0x27: {  	[sflag:s16] =	ssyncadd.s32 $0xFFFFEC00  }
0x28: {  	[tilespmem:s17], [sflag:$0x3] =	stream.linear.gather [hbm4b:s6+s28], $0x1400, $0x38;
	[tilespmem:$0x1E400] =	vst v63  }
0x29: {  	_ =	swait.ge [sflag:s16], $0x1400  }
0x2a: {  	[sflag:s16] =	ssyncset.done $0x0  }
0x2b: {  	[sflag:s16] =	ssyncadd.s32 $0xFFFFEC00  }
0x2c: {  	[tilespmem:s19], [sflag:$0x1] =	stream.indirect.gather [hbm4b:s4+s18], $0x80, s28, s18, $0xb8;
	[tilespmem:$0x1E400] =	vst v63  }
0x2d: {  	_ = 	snop  }
0x2e: {  	[spmem:s7] =	stream.linear.scatter [tilespmem:s20], [sflag:$0x3], $0x4000, $0x38;
	[tilespmem:$0x1E400] =	vst v63  }
0x2f: {  	_ =	swait.ge [sflag:s16], $0x4000  }
0x30: {  	[sflag:s16] =	ssyncset.done $0x0  }
0x31: {  	[sflag:s16] =	ssyncadd.s32 $0xFFFFC000  }
0x32: {  	[spmem:s8] =	stream.linear.scatter [tilespmem:s20], [sflag:$0x3], $0x4000, $0x38;
	[tilespmem:$0x1E400] =	vst v63  }
0x33: {  	_ =	swait.ge [sflag:s16], $0x4000  }
0x34: {  	[sflag:s16] =	ssyncset.done $0x0  }
0x35: {  	[sflag:s16] =	ssyncadd.s32 $0xFFFFC000  }
0x36: {  	[spmem:s9] =	stream.linear.scatter [tilespmem:s20], [sflag:$0x3], $0x4000, $0x38;
	[tilespmem:$0x1E400] =	vst v63  }
0x37: {  	_ =	swait.ge [sflag:s16], $0x4000  }
0x38: {  	[sflag:s16] =	ssyncset.done $0x0  }
0x39: {  	[sflag:s16] =	ssyncadd.s32 $0xFFFFC000  }
0x3a: {  	[spmem:s10] =	stream.linear.scatter [tilespmem:s20], [sflag:$0x3], $0x4000, $0x38;
	[tilespmem:$0x1E400] =	vst v63  }
0x3b: {  	_ =	swait.ge [sflag:s16], $0x4000  }
0x3c: {  	[sflag:s16] =	ssyncset.done $0x0  }
0x3d: {  	[sflag:s16] =	ssyncadd.s32 $0xFFFFC000  }
0x3e: {  	[spmem:s11] =	stream.linear.scatter [tilespmem:s20], [sflag:$0x3], $0x3C00, $0x38;
	[tilespmem:$0x1E400] =	vst v63  }
0x3f: {  	_ =	swait.ge [sflag:s16], $0x3C00  }
0x40: {  	[sflag:s16] =	ssyncset.done $0x0  }
0x41: {  	[sflag:s16] =	ssyncadd.s32 $0xFFFFC400  }
0x42: {  	[bflag:$0x0] =	sbarrier.arrive $0xFFFF  }
0x43: {  	[tilespmem:s20], [sflag:$0x2] =	stream.indirect.gather [hbm4b:s4+s18], $0x80, s18, s18, $0xb8;
	[tilespmem:$0x1E400] =	vst v63  }
0x44: {  	_ =	swait.ge [sflag:s21], $0x4000  }
0x45: {  	[sflag:s21] =	ssyncset.done $0x0  }
0x46: {  	s29 =	simm.s32 $0x1400;
	[sflag:s21] =	ssyncadd.s32 $0xFFFFC000  }
0x47: {  	[spmem:s1] =	stream.indirect.scatter.add.f32 [tilespmem:s19], [sflag:$0x3], $0x80, s29, s18, $0xb8;
	[tilespmem:$0x1E400] =	vst v63  }
0x48: {  	_ =	swait.ge [sflag:s16], $0x4000  }
0x49: {  	[sflag:s16] =	ssyncset.done $0x0  }
0x4a: {  	s30 =	simm.s32 $0x100;
	[sflag:s16] =	ssyncadd.s32 $0xFFFFC000  }
0x4b: {  	[tilespmem:s19], [sflag:$0x1] =	stream.indirect.gather [hbm4b:s4+s18], $0x80, s30, s18, $0xb8;
	[tilespmem:$0x1E400] =	vst v63  }
0x4c: {  	_ =	swait.ge [sflag:s22], $0x4000  }
0x4d: {  	[sflag:s22] =	ssyncset.done $0x0  }
0x4e: {  	s31 =	simm.s32 $0x1480;
	[sflag:s22] =	ssyncadd.s32 $0xFFFFC000  }
0x4f: {  	[spmem:s1] =	stream.indirect.scatter.add.f32 [tilespmem:s20], [sflag:$0x3], $0x80, s31, s18, $0xb8;
	[tilespmem:$0x1E400] =	vst v63  }
0x50: {  	_ =	swait.ge [sflag:s16], $0x4000  }
0x51: {  	[sflag:s16] =	ssyncset.done $0x0  }
0x52: {  	s25 =	simm.s32 $0x400;
	s26 =	simm.s32 $0x180;
	[sflag:s16] =	ssyncadd.s32 $0xFFFFC000  }
.LBB2_4:
0x53: {  	[tilespmem:s20], [sflag:$0x2] =	stream.indirect.gather [hbm4b:s4+s18], $0x80, s26, s18, $0xb8;
	[tilespmem:$0x1E400] =	vst v63  }
0x54: {  	s26 =	smov.u32 s25  }
0x55: {  	p0 =	sne.s32 s25, $0x4800;
	s25 =	sadd.s32 $0x400, s25;
	_ =	swait.ge [sflag:s21], $0x4000  }
0x56: {  	s26 =	sshra.s32 s26, $0x2;
	[sflag:s21] =	ssyncset.done $0x0  }
0x57: {  	s28 =	sadd.s32 $0x1400, s26;
	[sflag:s21] =	ssyncadd.s32 $0xFFFFC000  }
0x58: {  	[spmem:s1] =	stream.indirect.scatter.add.f32 [tilespmem:s19], [sflag:$0x3], $0x80, s28, s18, $0xb8;
	[tilespmem:$0x1E400] =	vst v63  }
0x59: {  	_ =	swait.ge [sflag:s16], $0x4000  }
0x5a: {  	[sflag:s16] =	ssyncset.done $0x0  }
0x5b: {  	s28 =	sadd.s32 $0x100, s26;
	[sflag:s16] =	ssyncadd.s32 $0xFFFFC000  }
0x5c: {  	[tilespmem:s19], [sflag:$0x1] =	stream.indirect.gather [hbm4b:s4+s18], $0x80, s28, s18, $0xb8;
	[tilespmem:$0x1E400] =	vst v63  }
0x5d: {  	_ =	swait.ge [sflag:s22], $0x4000  }
0x5e: {  	[sflag:s22] =	ssyncset.done $0x0  }
.Ltmp1:
0x5f: {  	s28 =	sadd.s32 $0x1480, s26;
	[sflag:s22] =	ssyncadd.s32 $0xFFFFC000;
	(pc) =	sbr.rel @p0 .LBB2_4-.Ltmp1, $4  }
0x60: {  	[spmem:s1] =	stream.indirect.scatter.add.f32 [tilespmem:s20], [sflag:$0x3], $0x80, s28, s18, $0xb8;
	[tilespmem:$0x1E400] =	vst v63  }
0x61: {  	_ =	swait.ge [sflag:s16], $0x4000  }
0x62: {  	[sflag:s16] =	ssyncset.done $0x0  }
0x63: {  	s26 =	sadd.s32 $0x180, s26;
	[sflag:s16] =	ssyncadd.s32 $0xFFFFC000  }
0x64: {  	[tilespmem:s20], [sflag:$0x2] =	stream.indirect.gather [hbm4b:s4+s18], $0x80, s26, s18, $0xb8;
	[tilespmem:$0x1E400] =	vst v63  }
0x65: {  	_ =	swait.ge [sflag:s21], $0x4000  }
0x66: {  	[sflag:s21] =	ssyncset.done $0x0  }
0x67: {  	[sflag:s21] =	ssyncadd.s32 $0xFFFFC000  }
0x68: {  	[spmem:s1] =	stream.indirect.scatter.add.f32 [tilespmem:s19], [sflag:$0x3], $0x80, s23, s18, $0xb8;
	[tilespmem:$0x1E400] =	vst v63  }
0x69: {  	_ =	swait.ge [sflag:s16], $0x4000  }
0x6a: {  	[sflag:s16] =	ssyncset.done $0x0  }
0x6b: {  	[sflag:s16] =	ssyncadd.s32 $0xFFFFC000  }
0x6c: {  	_ =	swait.ge [sflag:s22], $0x4000  }
0x6d: {  	[sflag:s22] =	ssyncset.done $0x0  }
0x6e: {  	[sflag:s22] =	ssyncadd.s32 $0xFFFFC000  }
0x6f: {  	[spmem:s1] =	stream.indirect.scatter.add.f32 [tilespmem:s20], [sflag:$0x3], $0x80, s24, s18, $0xb8;
	[tilespmem:$0x1E400] =	vst v63  }
0x70: {  	_ =	swait.ge [sflag:s16], $0x4000  }
0x71: {  	[sflag:s16] =	ssyncset.done $0x0  }
0x72: {  	s25 =	simm.s32 $0x0;
	[sflag:s16] =	ssyncadd.s32 $0xFFFFC000  }
0x73: {  	[tilespmem:s25], [sflag:$0x3] =	stream.linear.gather [hbm4b:s12+s25], $0x1400, $0x38;
	[tilespmem:$0x1E400] =	vst v63  }
0x74: {  	_ =	swait.ge [sflag:s16], $0x1400  }
0x75: {  	[sflag:s16] =	ssyncset.done $0x0  }
0x76: {  	[sflag:s16] =	ssyncadd.s32 $0xFFFFEC00  }
0x77: {  	[tilespmem:s17], [sflag:$0x3] =	stream.linear.gather [hbm4b:s13+s25], $0x1400, $0x38;
	[tilespmem:$0x1E400] =	vst v63  }
0x78: {  	_ =	swait.ge [sflag:s16], $0x1400  }
0x79: {  	[sflag:s16] =	ssyncset.done $0x0  }
0x7a: {  	[sflag:s16] =	ssyncadd.s32 $0xFFFFEC00  }
0x7b: {  	[tilespmem:s19], [sflag:$0x1] =	stream.indirect.gather [hbm4b:s4+s18], $0x80, s25, s18, $0xb8;
	[tilespmem:$0x1E400] =	vst v63  }
0x7c: {  	_ = 	snop  }
0x7d: {  	[tilespmem:s20], [sflag:$0x2] =	stream.indirect.gather [hbm4b:s4+s18], $0x80, s18, s18, $0xb8;
	[tilespmem:$0x1E400] =	vst v63  }
0x7e: {  	_ =	swait.ge [sflag:s21], $0x4000  }
0x7f: {  	[sflag:s21] =	ssyncset.done $0x0  }
0x80: {  	s29 =	simm.s32 $0x1400;
	[sflag:s21] =	ssyncadd.s32 $0xFFFFC000  }
0x81: {  	[spmem:s1] =	stream.indirect.scatter.add.f32 [tilespmem:s19], [sflag:$0x3], $0x80, s29, s18, $0xb8;
	[tilespmem:$0x1E400] =	vst v63  }
0x82: {  	_ =	swait.ge [sflag:s16], $0x4000  }
0x83: {  	[sflag:s16] =	ssyncset.done $0x0  }
0x84: {  	s30 =	simm.s32 $0x100;
	[sflag:s16] =	ssyncadd.s32 $0xFFFFC000  }
0x85: {  	[tilespmem:s19], [sflag:$0x1] =	stream.indirect.gather [hbm4b:s4+s18], $0x80, s30, s18, $0xb8;
	[tilespmem:$0x1E400] =	vst v63  }
0x86: {  	_ =	swait.ge [sflag:s22], $0x4000  }
0x87: {  	[sflag:s22] =	ssyncset.done $0x0  }
0x88: {  	s31 =	simm.s32 $0x1480;
	[sflag:s22] =	ssyncadd.s32 $0xFFFFC000  }
0x89: {  	[spmem:s1] =	stream.indirect.scatter.add.f32 [tilespmem:s20], [sflag:$0x3], $0x80, s31, s18, $0xb8;
	[tilespmem:$0x1E400] =	vst v63  }
0x8a: {  	_ =	swait.ge [sflag:s16], $0x4000  }
0x8b: {  	[sflag:s16] =	ssyncset.done $0x0  }
0x8c: {  	s26 =	simm.s32 $0x180;
	s25 =	simm.s32 $0x400;
	[sflag:s16] =	ssyncadd.s32 $0xFFFFC000  }
.LBB2_6:
0x8d: {  	[tilespmem:s20], [sflag:$0x2] =	stream.indirect.gather [hbm4b:s4+s18], $0x80, s26, s18, $0xb8;
	[tilespmem:$0x1E400] =	vst v63  }
0x8e: {  	s26 =	smov.u32 s25  }
0x8f: {  	p0 =	sne.s32 s25, $0x4800;
	s25 =	sadd.s32 $0x400, s25;
	_ =	swait.ge [sflag:s21], $0x4000  }
0x90: {  	s26 =	sshra.s32 s26, $0x2;
	[sflag:s21] =	ssyncset.done $0x0  }
0x91: {  	s28 =	sadd.s32 $0x1400, s26;
	[sflag:s21] =	ssyncadd.s32 $0xFFFFC000  }
0x92: {  	[spmem:s1] =	stream.indirect.scatter.add.f32 [tilespmem:s19], [sflag:$0x3], $0x80, s28, s18, $0xb8;
	[tilespmem:$0x1E400] =	vst v63  }
0x93: {  	_ =	swait.ge [sflag:s16], $0x4000  }
0x94: {  	[sflag:s16] =	ssyncset.done $0x0  }
0x95: {  	s28 =	sadd.s32 $0x100, s26;
	[sflag:s16] =	ssyncadd.s32 $0xFFFFC000  }
0x96: {  	[tilespmem:s19], [sflag:$0x1] =	stream.indirect.gather [hbm4b:s4+s18], $0x80, s28, s18, $0xb8;
	[tilespmem:$0x1E400] =	vst v63  }
0x97: {  	_ =	swait.ge [sflag:s22], $0x4000  }
0x98: {  	[sflag:s22] =	ssyncset.done $0x0  }
.Ltmp2:
0x99: {  	s28 =	sadd.s32 $0x1480, s26;
	[sflag:s22] =	ssyncadd.s32 $0xFFFFC000;
	(pc) =	sbr.rel @p0 .LBB2_6-.Ltmp2, $4  }
0x9a: {  	[spmem:s1] =	stream.indirect.scatter.add.f32 [tilespmem:s20], [sflag:$0x3], $0x80, s28, s18, $0xb8;
	[tilespmem:$0x1E400] =	vst v63  }
0x9b: {  	_ =	swait.ge [sflag:s16], $0x4000  }
0x9c: {  	[sflag:s16] =	ssyncset.done $0x0  }
0x9d: {  	s26 =	sadd.s32 $0x180, s26;
	[sflag:s16] =	ssyncadd.s32 $0xFFFFC000  }
0x9e: {  	[tilespmem:s20], [sflag:$0x2] =	stream.indirect.gather [hbm4b:s4+s18], $0x80, s26, s18, $0xb8;
	[tilespmem:$0x1E400] =	vst v63  }
0x9f: {  	_ =	swait.ge [sflag:s21], $0x4000  }
0xa0: {  	[sflag:s21] =	ssyncset.done $0x0  }
0xa1: {  	[sflag:s21] =	ssyncadd.s32 $0xFFFFC000  }
0xa2: {  	[spmem:s1] =	stream.indirect.scatter.add.f32 [tilespmem:s19], [sflag:$0x3], $0x80, s23, s18, $0xb8;
	[tilespmem:$0x1E400] =	vst v63  }
0xa3: {  	_ =	swait.ge [sflag:s16], $0x4000  }
0xa4: {  	[sflag:s16] =	ssyncset.done $0x0  }
0xa5: {  	[sflag:s16] =	ssyncadd.s32 $0xFFFFC000  }
0xa6: {  	_ =	swait.ge [sflag:s22], $0x4000  }
0xa7: {  	[sflag:s22] =	ssyncset.done $0x0  }
0xa8: {  	[sflag:s22] =	ssyncadd.s32 $0xFFFFC000  }
0xa9: {  	[spmem:s1] =	stream.indirect.scatter.add.f32 [tilespmem:s20], [sflag:$0x3], $0x80, s24, s18, $0xb8;
	[tilespmem:$0x1E400] =	vst v63  }
0xaa: {  	_ =	swait.ge [sflag:s16], $0x4000  }
0xab: {  	s25 =	sshll.u32 s2, $0x6;
	s3 =	sadd.s32 $0x1, s3;
	[sflag:s16] =	ssyncset.done $0x0  }
0xac: {  	s31 =	sshrl.u32 s7, $0x3;
	p0 =	sne.s32 s3, s15;
	[sflag:s16] =	ssyncadd.s32 $0xFFFFC000  }
.Ltmp3:
0xad: {  	s25 =	sor.u32 $0x1C03, s25;
	[bflag:$0x0] =	sbarrier.arrive $0xFFFF;
	(pc) =	sbr.rel @p0 .LBB2_1-.Ltmp3, $4  }
0xae: {  	[hbm:s14], [sflag:s25] =	dma.local [spmem:s31], $0x2780  }
0xaf: {  	_ =	swait.ge [sflag:s16], $0x2780  }
0xb0: {  	[sflag:s16] =	ssyncset.done $0x0  }
0xb1: {  	[sflag:s16] =	ssyncadd.s32 $0xFFFFD880  }
0xb2: {  	_ =	sfence.sel $0x180000  }
0xb3: {  	[bflag:$0x0] =	sbarrier.arrive $0xFFFF  }
0xb4: {  	p0 =	sne.s32 s2, $0x0;
	_ =	strace $0x90000047  }
0xb5: {  	s0 =	sadd.s32 @!p0 $0x100000, s0;
	[bflag:$0x2] =	sbarrier.arrive $0xFFFF  }
0xb6: {  	[sflag:s0] =	ssyncadd.tile.s32 @!p0 $0x1;
	_ =	shalt  }
.Lfunc_end2:
_tile_overlayer_lowered:
.L_overlay_start_2:
0xb7: {  	(tag) =	ssettag $0x2  }
0xb8: {  	s0 =	rddreg [dreg:$0x0];
	s2 =	stileid.u32  }
0xb9: {  	s1 =	rddreg [dreg:$0x1];
	p0 =	sne.s32 s2, $0x0  }
0xba: {  	s3 =	rddreg [dreg:$0x2];
	[bflag:$0x3] =	sbarrier.arrive $0xFFFF;
	s2 =	simm.s32 @!p0 $0x1C03  }
0xbb: {  	[timem:s3], [sflag:s2] =	dma.local @!p0 [hbm:s0], s1  }
0xbc: {  	s0 =	simm.s32 @!p0 $0x3  }
0xbd: {  	_ =	swait.ge @!p0 [sflag:s0], s1  }
0xbe: {  	s1 =	ssub.s32 @!p0 $0x0, s1;
	[sflag:s0] =	ssyncset.done @!p0 $0x0  }
0xbf: {  	[sflag:s0] =	ssyncadd.s32 @!p0 s1  }
0xc0: {  	[bflag:$0x3] =	sbarrier.arrive $0xFFFF  }
0xc1: {  	_ =	shalt  }

</sc_bundles>
